<compile_context>
chip_gen: v7x
topology: tpu7x:2x2x1
jax: 0.10.2.dev20260603
libtpu: 0.0.44.dev20260713+nightly
codegen_flags: <defaults>
</compile_context>

<pallas_src>
import functools

import jax
import jax.numpy as jnp
from jax import lax
from jax.experimental import pallas as pl
from jax.experimental.pallas import tpu as pltpu
from jax.experimental.pallas import tpu_sc as plsc

N = 10000
E = 320000
NF = 128
EF = 16
OF = 32
DIN = 2 * NF + EF
AW = OF + EF

NC = 2
NS = 16
NW = NC * NS
EPT = E // NW
CH = 400
NCHUNK = EPT // CH
DZ = 640
DTAIL = N - (NS - 1) * DZ
DPAD = NS * DZ

BE = 12800

_f32 = jnp.float32


def _node_kernel(n_ref, ww_ref, wm_ref, wmb_ref, a_ref,
                 asrc_ref, adst_ref, msrc_ref, mdstb_ref):
    nf = n_ref[...]
    ww = ww_ref[...]
    wm = wm_ref[...]
    a2 = a_ref[...]
    dn = (((1,), (1,)), ((), ()))
    v_src = lax.dot_general(ww[:, :NF], a2, (((0,), (0,)), ((), ())),
                            preferred_element_type=_f32)
    v_dst = lax.dot_general(ww[:, NF:2 * NF], a2, (((0,), (0,)), ((), ())),
                            preferred_element_type=_f32)
    asrc_ref[...] = lax.dot_general(nf, v_src, (((1,), (0,)), ((), ())),
                                    preferred_element_type=_f32)
    adst_ref[...] = lax.dot_general(nf, v_dst, (((1,), (0,)), ((), ())),
                                    preferred_element_type=_f32)
    msrc_ref[...] = lax.dot_general(nf, wm[:, :NF], dn,
                                    preferred_element_type=_f32)
    mdstb_ref[...] = lax.dot_general(nf, wm[:, NF:2 * NF], dn,
                                     preferred_element_type=_f32) + wmb_ref[...]


def _edge_kernel(e_ref, ww_ref, a_ref, wb_ref, ae_ref):
    efp = e_ref[...]
    v_e = lax.dot_general(ww_ref[...][:, 2 * NF:], a_ref[...],
                          (((0,), (0,)), ((), ())),
                          preferred_element_type=_f32)
    c = lax.dot_general(wb_ref[...], a_ref[...], (((1,), (0,)), ((), ())),
                        preferred_element_type=_f32)
    vt = jnp.concatenate([v_e] * 8, axis=0)
    row = lax.broadcasted_iota(jnp.int32, (128, 8), 0)
    col = lax.broadcasted_iota(jnp.int32, (128, 8), 1)
    g = jnp.where(row // EF == col, vt, 0.0)
    ae_ref[...] = lax.dot_general(efp, g, (((1,), (0,)), ((), ())),
                                  preferred_element_type=_f32) + c[0, 0]


def _combine_kernel(hp_ref, dp_ref, mdstb_ref, wm_ref, out_ref):
    acc = hp_ref[0] + hp_ref[1]
    hs = acc[:, :OF]
    aef = acc[:, OF:]
    me_w = wm_ref[...][:, 2 * NF:]
    h_ef = lax.dot_general(aef, me_w, (((1,), (1,)), ((), ())),
                           preferred_element_type=_f32)
    dn = dp_ref[0] + dp_ref[1]
    valid = dn > 0.0
    safe = jnp.where(valid, dn, 1.0)
    h = jnp.where(valid, (hs + h_ef) / safe + mdstb_ref[...], 0.0)
    out_ref[...] = jnp.maximum(h, 0.0)


_sc_mesh = plsc.VectorSubcoreMesh(core_axis_name="c", subcore_axis_name="s")


@functools.partial(
    pl.kernel,
    out_type=(jax.ShapeDtypeStruct((NC, N, AW), _f32),
              jax.ShapeDtypeStruct((NC, N), _f32)),
    mesh=_sc_mesh,
    scratch_types=[
        pltpu.VMEM_SHARED((N, AW), _f32),
        pltpu.VMEM_SHARED((DPAD,), _f32),
        pltpu.VMEM((N,), _f32),
        pltpu.VMEM((N,), _f32),
        pltpu.VMEM((CH,), jnp.int32),
        pltpu.VMEM((CH,), jnp.int32),
        pltpu.VMEM((CH,), _f32),
        pltpu.VMEM((CH,), _f32),
        pltpu.VMEM((CH, OF), _f32),
        pltpu.VMEM((CH // 8, 128), _f32),
        pltpu.VMEM((CH, AW), _f32),
        pltpu.VMEM((DZ, AW), _f32),
        pltpu.VMEM((DZ,), _f32),
        pltpu.SemaphoreType.DMA,
    ],
    compiler_params=pltpu.CompilerParams(needs_layout_passes=False,
                                         use_tc_tiling_on_sc=False),
)
def _sc_gat(src_hbm, dst_hbm, asrc_hbm, adst_hbm, ae_hbm, msrc_hbm, ef_hbm,
            h_out, d_out,
            h_sh, d_sh, asrc_v, adst_v, src_v, dst_v, ae_v, ex_v,
            rows_v, ef_v, vals_v, zh_v, zd_v, sem):
    core = lax.axis_index("c")
    sub = lax.axis_index("s")
    wid = core * NS + sub

    zvec = jnp.zeros((16,), _f32)

    def _zh(i, carry):
        for part in range(AW // 16):
            zh_v[i, pl.ds(part * 16, 16)] = zvec
        return carry

    lax.fori_loop(0, DZ, _zh, 0)

    def _zd(i, carry):
        zd_v[pl.ds(i * 16, 16)] = zvec
        return carry

    lax.fori_loop(0, DZ // 16, _zd, 0)

    @pl.when(sub < NS - 1)
    def _():
        pltpu.sync_copy(zh_v, h_sh.at[pl.ds(sub * DZ, DZ), :])

    @pl.when(sub == NS - 1)
    def _():
        pltpu.sync_copy(zh_v.at[pl.ds(0, DTAIL), :],
                        h_sh.at[pl.ds((NS - 1) * DZ, DTAIL), :])

    pltpu.sync_copy(zd_v, d_sh.at[pl.ds(sub * DZ, DZ)])

    pltpu.sync_copy(asrc_hbm, asrc_v)
    pltpu.sync_copy(adst_hbm, adst_v)
    plsc.subcore_barrier()

    tile_base = wid * EPT

    def _chunk(chi, carry):
        base = tile_base + chi * CH
        pltpu.sync_copy(src_hbm.at[pl.ds(base, CH)], src_v)
        pltpu.sync_copy(dst_hbm.at[pl.ds(base, CH)], dst_v)
        pltpu.sync_copy(ae_hbm.at[pl.ds(base, CH)], ae_v)
        pltpu.sync_copy(ef_hbm.at[pl.ds(base // 8, CH // 8), :], ef_v)
        gat = pltpu.async_copy(msrc_hbm.at[src_v], rows_v, sem)

        def _logits(g, c2):
            sl = pl.ds(g * 16, 16)
            a_s = plsc.load_gather(asrc_v, [src_v[sl]])
            a_d = plsc.load_gather(adst_v, [dst_v[sl]])
            z = a_s + a_d + ae_v[sl]
            lg = jnp.maximum(z, 0.01 * z)
            ex_v[sl] = jnp.exp(lg)
            return c2

        lax.fori_loop(0, CH // 16, _logits, 0)
        pltpu.sync_copy(ex_v, d_sh.at[dst_v], add=True)
        gat.wait()

        def _scale(g, c2):
            exg = ex_v[pl.ds(g * 16, 16)]
            for i in range(16):
                ei = g * 16 + i
                exi = exg[i]
                for half in range(OF // 16):
                    sl = pl.ds(half * 16, 16)
                    vals_v[ei, sl] = exi * rows_v[ei, sl]
                vals_v[ei, pl.ds(OF, 16)] = exi * ef_v[2 * g + i // 8,
                                                       pl.ds((i % 8) * EF, EF)]
            return c2

        lax.fori_loop(0, CH // 16, _scale, 0)
        pltpu.sync_copy(vals_v, h_sh.at[dst_v], add=True)
        return carry

    lax.fori_loop(0, NCHUNK, _chunk, 0)

    plsc.subcore_barrier()

    @pl.when(sub < NS - 1)
    def _():
        pltpu.sync_copy(h_sh.at[pl.ds(sub * DZ, DZ), :],
                        h_out.at[core, pl.ds(sub * DZ, DZ), :])
        pltpu.sync_copy(d_sh.at[pl.ds(sub * DZ, DZ)],
                        d_out.at[core, pl.ds(sub * DZ, DZ)])

    @pl.when(sub == NS - 1)
    def _():
        pltpu.sync_copy(h_sh.at[pl.ds((NS - 1) * DZ, DTAIL), :],
                        h_out.at[core, pl.ds((NS - 1) * DZ, DTAIL), :])
        pltpu.sync_copy(d_sh.at[pl.ds((NS - 1) * DZ, DTAIL)],
                        d_out.at[core, pl.ds((NS - 1) * DZ, DTAIL)])


def kernel(n_feat, e_feat, edge_index, W_msg_w, W_msg_b, W_w, W_b, a):
    src = edge_index[0]
    dst = edge_index[1]

    asrc, adst, msrc, mdstb = pl.pallas_call(
        _node_kernel,
        out_shape=[
            jax.ShapeDtypeStruct((N, 1), _f32),
            jax.ShapeDtypeStruct((N, 1), _f32),
            jax.ShapeDtypeStruct((N, OF), _f32),
            jax.ShapeDtypeStruct((N, OF), _f32),
        ],
    )(n_feat, W_w, W_msg_w, W_msg_b.reshape(1, OF), a)

    ef_lin = e_feat.reshape(E // 8, 128)

    ae_p = pl.pallas_call(
        _edge_kernel,
        grid=(E // BE,),
        in_specs=[
            pl.BlockSpec((BE // 8, 128), lambda i: (i, 0)),
            pl.BlockSpec((2 * OF, DIN), lambda i: (0, 0)),
            pl.BlockSpec((2 * OF, 1), lambda i: (0, 0)),
            pl.BlockSpec((1, 2 * OF), lambda i: (0, 0)),
        ],
        out_specs=pl.BlockSpec((BE // 8, 8), lambda i: (i, 0)),
        out_shape=jax.ShapeDtypeStruct((E // 8, 8), _f32),
    )(ef_lin, W_w, a, W_b.reshape(1, 2 * OF))

    hp, dp = _sc_gat(src, dst, asrc.reshape(N), adst.reshape(N),
                     ae_p.reshape(E), msrc, ef_lin)

    out = pl.pallas_call(
        _combine_kernel,
        out_shape=jax.ShapeDtypeStruct((N, OF), _f32),
    )(hp, dp.reshape(NC, N, 1), mdstb, W_msg_w)
    return out

# --- scband reference (transcript-rebuilt; emitter-appended) ---
"""Pipeline reference for scband-gatlayer-47777216200928 (READ-ONLY COPY).

The authoritative reference and input builder live on the scoring server;
editing this copy changes nothing except your own understanding.
"""

import jax, jax.numpy as jnp
import numpy as np

N = 10000
E = 320000
NF = 128
EF = 16
OF = 32
DIN = 2 * NF + EF


def setup_inputs(seed: int = 0) -> dict:
    key = jax.random.key(seed)
    ks = jax.random.split(key, 8)
    n_feat = jax.random.normal(ks[0], (N, NF), dtype=jnp.float32)
    e_feat = jax.random.normal(ks[1], (E, EF), dtype=jnp.float32)
    edge_index = jax.random.randint(ks[2], (2, E), 0, N)
    gain = float(np.sqrt(2.0))
    # W: Linear(DIN -> 2*OF), xavier_normal_ with gain sqrt(2)
    std_W = gain * float(np.sqrt(2.0 / (DIN + 2 * OF)))
    W_w = std_W * jax.random.normal(ks[3], (2 * OF, DIN), dtype=jnp.float32)
    W_b = jnp.zeros((2 * OF,), dtype=jnp.float32)
    # W_msg: default torch Linear init (kaiming-uniform-like bound)
    bound = 1.0 / float(np.sqrt(DIN))
    W_msg_w = jax.random.uniform(ks[4], (OF, DIN), minval=-bound, maxval=bound, dtype=jnp.float32)
    W_msg_b = jax.random.uniform(ks[5], (OF,), minval=-bound, maxval=bound, dtype=jnp.float32)
    # a: xavier_normal_ with gain sqrt(2), shape (2*OF, 1)
    std_a = gain * float(np.sqrt(2.0 / (2 * OF + 1)))
    a = std_a * jax.random.normal(ks[6], (2 * OF, 1), dtype=jnp.float32)
    return {"n_feat": n_feat, "e_feat": e_feat, "edge_index": edge_index,
            "W_msg_w": W_msg_w, "W_msg_b": W_msg_b, "W_w": W_w, "W_b": W_b, "a": a}


def reference(n_feat, e_feat, edge_index, W_msg_w, W_msg_b, W_w, W_b, a):
    src = edge_index[0]
    dst = edge_index[1]
    # gather endpoint features per edge
    h_src = jnp.take(n_feat, src, axis=0)
    h_dst = jnp.take(n_feat, dst, axis=0)
    feat_cat = jnp.concatenate([h_src, h_dst, e_feat], axis=1)  # [E, DIN]
    # edge attention logits: leaky_relu(W(feat_cat) @ a)
    w_feat = feat_cat @ W_w.T + W_b                              # [E, 2*OF]
    e = jax.nn.leaky_relu(w_feat @ a, negative_slope=0.01)[:, 0]  # [E]
    # edge_softmax over incoming edges grouped by dst node
    m = jax.ops.segment_max(e, dst, num_segments=N)
    m = jnp.where(jnp.isfinite(m), m, 0.0)
    ex = jnp.exp(e - m[dst])
    denom = jax.ops.segment_sum(ex, dst, num_segments=N)
    att = ex / denom[dst]                                        # [E]
    # message: W_msg(feat_cat), weighted by attention, summed per dst
    msg = feat_cat @ W_msg_w.T + W_msg_b                         # [E, OF]
    h = jax.ops.segment_sum(att[:, None] * msg, dst, num_segments=N)  # [N, OF]
    return jax.nn.relu(h)

if __name__ == "__main__":
    import jax
    _d = setup_inputs()
    print(jax.jit(kernel)(*tuple(_d.values())))

</pallas_src>

<mosaic_0001>
#map = affine_map<(d0, d1) -> (0)>
#map1 = affine_map<(d0, d1) -> (0, 0)>
#map2 = affine_map<(d0, d1) -> (0, 0, 0)>
module attributes {stable_mosaic.version = 14 : i64} {
  func.func @_sc_gat(%arg0: i32, %arg1: i32, %arg2: memref<320000xi32, #tpu.memory_space<hbm>>, %arg3: memref<320000xi32, #tpu.memory_space<hbm>>, %arg4: memref<10000xf32, #tpu.memory_space<hbm>>, %arg5: memref<10000xf32, #tpu.memory_space<hbm>>, %arg6: memref<320000xf32, #tpu.memory_space<hbm>>, %arg7: memref<10000x32xf32, #tpu.memory_space<hbm>>, %arg8: memref<40000x128xf32, #tpu.memory_space<hbm>>, %arg9: memref<2x10000x48xf32, #tpu.memory_space<hbm>>, %arg10: memref<2x10000xf32, #tpu.memory_space<hbm>>, %arg11: memref<10000x48xf32, #tpu.memory_space<vmem_shared>>, %arg12: memref<10240xf32, #tpu.memory_space<vmem_shared>>, %arg13: memref<10000xf32, #tpu.memory_space<vmem>>, %arg14: memref<10000xf32, #tpu.memory_space<vmem>>, %arg15: memref<400xi32, #tpu.memory_space<vmem>>, %arg16: memref<400xi32, #tpu.memory_space<vmem>>, %arg17: memref<400xf32, #tpu.memory_space<vmem>>, %arg18: memref<400xf32, #tpu.memory_space<vmem>>, %arg19: memref<400x32xf32, #tpu.memory_space<vmem>>, %arg20: memref<50x128xf32, #tpu.memory_space<vmem>>, %arg21: memref<400x48xf32, #tpu.memory_space<vmem>>, %arg22: memref<640x48xf32, #tpu.memory_space<vmem>>, %arg23: memref<640xf32, #tpu.memory_space<vmem>>, %arg24: memref<!tpu.dma_semaphore, #tpu.memory_space<semaphore_mem>>) attributes {dimension_semantics = [#tpu.dimension_semantics<core_parallel>, #tpu.dimension_semantics<subcore_parallel>], iteration_bounds = array<i64: 2, 16>, scalar_prefetch = 0 : i64, scratch_operands = 14 : i64, tpu.core_type = #tpu.core_type<sc_vector_subcore>, window_params = [{transform_indices = #map}, {transform_indices = #map}, {transform_indices = #map}, {transform_indices = #map}, {transform_indices = #map}, {transform_indices = #map1}, {transform_indices = #map1}, {transform_indices = #map2}, {transform_indices = #map1}]} {
    %mul3A = arith.constant 16 : i32
    %mul3A_0 = arith.muli %arg0, %mul3A : i32
    %add3A = arith.addi %mul3A_0, %arg1 : i32
    %broadcast_in_dim3A = arith.constant 0.000000e+00 : f32
    %broadcast_in_dim3A_1 = vector.broadcast %broadcast_in_dim3A : f32 to vector<16xf32>
    %scan3A = arith.constant 0 : i32
    %scan3A_2 = arith.constant 0 : i32
    %scan3A_3 = arith.constant 640 : i32
    %scan3A_4 = arith.addi %scan3A_2, %scan3A_3 : i32
    %scan3A_5 = arith.constant 1 : i32
    scf.for %scan3A_40 = %scan3A_2 to %scan3A_4 step %scan3A_5  : i32 {
      %swap3A = arith.index_cast %scan3A_40 : i32 to index
      %swap3A_41 = arith.constant 0 : index
      %swap3A_42 = tpu.vector_load %arg22[%swap3A, %swap3A_41] {strides = array<i32>} : memref<640x48xf32, #tpu.memory_space<vmem>>, vector<16xf32>,
      tpu.vector_store %arg22[%swap3A, %swap3A_41], %broadcast_in_dim3A_1 {strides = array<i32>} : memref<640x48xf32, #tpu.memory_space<vmem>>, vector<16xf32>,
      %swap3A_43 = arith.index_cast %scan3A_40 : i32 to index
      %swap3A_44 = arith.constant 16 : index
      %swap3A_45 = tpu.vector_load %arg22[%swap3A_43, %swap3A_44] {strides = array<i32>} : memref<640x48xf32, #tpu.memory_space<vmem>>, vector<16xf32>,
      tpu.vector_store %arg22[%swap3A_43, %swap3A_44], %broadcast_in_dim3A_1 {strides = array<i32>} : memref<640x48xf32, #tpu.memory_space<vmem>>, vector<16xf32>,
      %swap3A_46 = arith.index_cast %scan3A_40 : i32 to index
      %swap3A_47 = arith.constant 32 : index
      %swap3A_48 = tpu.vector_load %arg22[%swap3A_46, %swap3A_47] {strides = array<i32>} : memref<640x48xf32, #tpu.memory_space<vmem>>, vector<16xf32>,
      tpu.vector_store %arg22[%swap3A_46, %swap3A_47], %broadcast_in_dim3A_1 {strides = array<i32>} : memref<640x48xf32, #tpu.memory_space<vmem>>, vector<16xf32>,
    }
    %scan3A_6 = arith.constant 640 : i32
    %scan3A_7 = arith.constant 0 : i32
    %scan3A_8 = arith.constant 0 : i32
    %scan3A_9 = arith.constant 40 : i32
    %scan3A_10 = arith.addi %scan3A_8, %scan3A_9 : i32
    %scan3A_11 = arith.constant 1 : i32
    scf.for %scan3A_40 = %scan3A_8 to %scan3A_10 step %scan3A_11  : i32 {
      %mul3A_41 = arith.constant 16 : i32
      %mul3A_42 = arith.muli %scan3A_40, %mul3A_41 : i32
      %swap3A = arith.index_cast %mul3A_42 : i32 to index
      %swap3A_43 = tpu.vector_load %arg23[%swap3A] {strides = array<i32>} : memref<640xf32, #tpu.memory_space<vmem>>, vector<16xf32>,
      tpu.vector_store %arg23[%swap3A], %broadcast_in_dim3A_1 {strides = array<i32>} : memref<640xf32, #tpu.memory_space<vmem>>, vector<16xf32>,
    }
    %scan3A_12 = arith.constant 40 : i32
    %lt3A = arith.constant 15 : i32
    %lt3A_13 = arith.cmpi slt, %arg1, %lt3A : i32
    %convert_element_type3A = arith.extui %lt3A_13 : i1 to i32
    %cond3A = arith.constant 0 : i32
    %cond3A_14 = arith.cmpi ne, %convert_element_type3A, %cond3A : i32
    scf.if %cond3A_14 {
      %mul3A_40 = arith.constant 640 : i32
      %mul3A_41 = arith.muli %arg1, %mul3A_40 : i32
      "tpu.region"() ({
        %run_scoped3A = tpu.sem_alloc : memref<!tpu.dma_semaphore, #tpu.memory_space<semaphore_mem>>
        %dma_start3A = arith.constant 0 : i32
        %dma_start3A_42 = tpu.memref_slice %arg11[%mul3A_41, %dma_start3A] : memref<10000x48xf32, #tpu.memory_space<vmem_shared>> -> memref<640x48xf32, #tpu.memory_space<vmem_shared>>
        %dma_start3A_43 = arith.constant 0 : i32
        %dma_start3A_44 = tpu.memref_slice %arg11[%mul3A_41, %dma_start3A_43] : memref<10000x48xf32, #tpu.memory_space<vmem_shared>> -> memref<640x48xf32, #tpu.memory_space<vmem_shared>>
        tpu.enqueue_dma source(%arg22 : memref<640x48xf32, #tpu.memory_space<vmem>>) target(%dma_start3A_44 : memref<640x48xf32, #tpu.memory_space<vmem_shared>>) target_semaphore(%run_scoped3A : memref<!tpu.dma_semaphore, #tpu.memory_space<semaphore_mem>>)
        %dma_wait3A = arith.constant 0 : i32
        %dma_wait3A_45 = tpu.memref_slice %arg11[%mul3A_41, %dma_wait3A] : memref<10000x48xf32, #tpu.memory_space<vmem_shared>> -> memref<640x48xf32, #tpu.memory_space<vmem_shared>>
        %dma_wait3A_46 = arith.constant 0 : i32
        %dma_wait3A_47 = tpu.memref_slice %arg11[%mul3A_41, %dma_wait3A_46] : memref<10000x48xf32, #tpu.memory_space<vmem_shared>> -> memref<640x48xf32, #tpu.memory_space<vmem_shared>>
        tpu.wait_dma2 semaphore(%run_scoped3A : memref<!tpu.dma_semaphore, #tpu.memory_space<semaphore_mem>>) src(%arg22 : memref<640x48xf32, #tpu.memory_space<vmem>>) dst(%dma_wait3A_47 : memref<640x48xf32, #tpu.memory_space<vmem_shared>>)
        tpu.yield
      }) : () -> ()
    } else {
    }
    %eq3A = arith.constant 15 : i32
    %eq3A_15 = arith.cmpi eq, %arg1, %eq3A : i32
    %convert_element_type3A_16 = arith.extui %eq3A_15 : i1 to i32
    %cond3A_17 = arith.constant 0 : i32
    %cond3A_18 = arith.cmpi ne, %convert_element_type3A_16, %cond3A_17 : i32
    scf.if %cond3A_18 {
      "tpu.region"() ({
        %run_scoped3A = tpu.sem_alloc : memref<!tpu.dma_semaphore, #tpu.memory_space<semaphore_mem>>
        %dma_start3A = arith.constant 0 : i32
        %dma_start3A_40 = arith.constant 0 : i32
        %dma_start3A_41 = tpu.memref_slice %arg22[%dma_start3A, %dma_start3A_40] : memref<640x48xf32, #tpu.memory_space<vmem>> -> memref<400x48xf32, #tpu.memory_space<vmem>>
        %dma_start3A_42 = arith.constant 9600 : i32
        %dma_start3A_43 = arith.constant 0 : i32
        %dma_start3A_44 = tpu.memref_slice %arg11[%dma_start3A_42, %dma_start3A_43] : memref<10000x48xf32, #tpu.memory_space<vmem_shared>> -> memref<400x48xf32, #tpu.memory_space<vmem_shared>>
        %dma_start3A_45 = arith.constant 9600 : i32
        %dma_start3A_46 = arith.constant 0 : i32
        %dma_start3A_47 = tpu.memref_slice %arg11[%dma_start3A_45, %dma_start3A_46] : memref<10000x48xf32, #tpu.memory_space<vmem_shared>> -> memref<400x48xf32, #tpu.memory_space<vmem_shared>>
        %dma_start3A_48 = arith.constant 0 : i32
        %dma_start3A_49 = arith.constant 0 : i32
        %dma_start3A_50 = tpu.memref_slice %arg22[%dma_start3A_48, %dma_start3A_49] : memref<640x48xf32, #tpu.memory_space<vmem>> -> memref<400x48xf32, #tpu.memory_space<vmem>>
        tpu.enqueue_dma source(%dma_start3A_50 : memref<400x48xf32, #tpu.memory_space<vmem>>) target(%dma_start3A_47 : memref<400x48xf32, #tpu.memory_space<vmem_shared>>) target_semaphore(%run_scoped3A : memref<!tpu.dma_semaphore, #tpu.memory_space<semaphore_mem>>)
        %dma_wait3A = arith.constant 0 : i32
        %dma_wait3A_51 = arith.constant 0 : i32
        %dma_wait3A_52 = tpu.memref_slice %arg22[%dma_wait3A, %dma_wait3A_51] : memref<640x48xf32, #tpu.memory_space<vmem>> -> memref<400x48xf32, #tpu.memory_space<vmem>>
        %dma_wait3A_53 = arith.constant 9600 : i32
        %dma_wait3A_54 = arith.constant 0 : i32
        %dma_wait3A_55 = tpu.memref_slice %arg11[%dma_wait3A_53, %dma_wait3A_54] : memref<10000x48xf32, #tpu.memory_space<vmem_shared>> -> memref<400x48xf32, #tpu.memory_space<vmem_shared>>
        %dma_wait3A_56 = arith.constant 9600 : i32
        %dma_wait3A_57 = arith.constant 0 : i32
        %dma_wait3A_58 = tpu.memref_slice %arg11[%dma_wait3A_56, %dma_wait3A_57] : memref<10000x48xf32, #tpu.memory_space<vmem_shared>> -> memref<400x48xf32, #tpu.memory_space<vmem_shared>>
        %dma_wait3A_59 = arith.constant 0 : i32
        %dma_wait3A_60 = arith.constant 0 : i32
        %dma_wait3A_61 = tpu.memref_slice %arg22[%dma_wait3A_59, %dma_wait3A_60] : memref<640x48xf32, #tpu.memory_space<vmem>> -> memref<400x48xf32, #tpu.memory_space<vmem>>
        tpu.wait_dma2 semaphore(%run_scoped3A : memref<!tpu.dma_semaphore, #tpu.memory_space<semaphore_mem>>) src(%dma_wait3A_61 : memref<400x48xf32, #tpu.memory_space<vmem>>) dst(%dma_wait3A_58 : memref<400x48xf32, #tpu.memory_space<vmem_shared>>)
        tpu.yield
      }) : () -> ()
    } else {
    }
    %mul3A_19 = arith.constant 640 : i32
    %mul3A_20 = arith.muli %arg1, %mul3A_19 : i32
    "tpu.region"() ({
      %run_scoped3A = tpu.sem_alloc : memref<!tpu.dma_semaphore, #tpu.memory_space<semaphore_mem>>
      %dma_start3A = tpu.memref_slice %arg12[%mul3A_20] : memref<10240xf32, #tpu.memory_space<vmem_shared>> -> memref<640xf32, #tpu.memory_space<vmem_shared>>
      %dma_start3A_40 = tpu.memref_slice %arg12[%mul3A_20] : memref<10240xf32, #tpu.memory_space<vmem_shared>> -> memref<640xf32, #tpu.memory_space<vmem_shared>>
      tpu.enqueue_dma source(%arg23 : memref<640xf32, #tpu.memory_space<vmem>>) target(%dma_start3A_40 : memref<640xf32, #tpu.memory_space<vmem_shared>>) target_semaphore(%run_scoped3A : memref<!tpu.dma_semaphore, #tpu.memory_space<semaphore_mem>>)
      %dma_wait3A = tpu.memref_slice %arg12[%mul3A_20] : memref<10240xf32, #tpu.memory_space<vmem_shared>> -> memref<640xf32, #tpu.memory_space<vmem_shared>>
      %dma_wait3A_41 = tpu.memref_slice %arg12[%mul3A_20] : memref<10240xf32, #tpu.memory_space<vmem_shared>> -> memref<640xf32, #tpu.memory_space<vmem_shared>>
      tpu.wait_dma2 semaphore(%run_scoped3A : memref<!tpu.dma_semaphore, #tpu.memory_space<semaphore_mem>>) src(%arg23 : memref<640xf32, #tpu.memory_space<vmem>>) dst(%dma_wait3A_41 : memref<640xf32, #tpu.memory_space<vmem_shared>>)
      tpu.yield
    }) : () -> ()
    "tpu.region"() ({
      %run_scoped3A = tpu.sem_alloc : memref<!tpu.dma_semaphore, #tpu.memory_space<semaphore_mem>>
      tpu.enqueue_dma source(%arg4 : memref<10000xf32, #tpu.memory_space<hbm>>) target(%arg13 : memref<10000xf32, #tpu.memory_space<vmem>>) target_semaphore(%run_scoped3A : memref<!tpu.dma_semaphore, #tpu.memory_space<semaphore_mem>>)
      tpu.wait_dma2 semaphore(%run_scoped3A : memref<!tpu.dma_semaphore, #tpu.memory_space<semaphore_mem>>) src(%arg4 : memref<10000xf32, #tpu.memory_space<hbm>>) dst(%arg13 : memref<10000xf32, #tpu.memory_space<vmem>>)
      tpu.yield
    }) : () -> ()
    "tpu.region"() ({
      %run_scoped3A = tpu.sem_alloc : memref<!tpu.dma_semaphore, #tpu.memory_space<semaphore_mem>>
      tpu.enqueue_dma source(%arg5 : memref<10000xf32, #tpu.memory_space<hbm>>) target(%arg14 : memref<10000xf32, #tpu.memory_space<vmem>>) target_semaphore(%run_scoped3A : memref<!tpu.dma_semaphore, #tpu.memory_space<semaphore_mem>>)
      tpu.wait_dma2 semaphore(%run_scoped3A : memref<!tpu.dma_semaphore, #tpu.memory_space<semaphore_mem>>) src(%arg5 : memref<10000xf32, #tpu.memory_space<hbm>>) dst(%arg14 : memref<10000xf32, #tpu.memory_space<vmem>>)
      tpu.yield
    }) : () -> ()
    %barrier3A = arith.constant 0 : index
    tpu.barrier barrier_id(%barrier3A)
    %mul3A_21 = arith.constant 10000 : i32
    %mul3A_22 = arith.muli %add3A, %mul3A_21 : i32
    %scan3A_23 = arith.constant 0 : i32
    %scan3A_24 = arith.constant 0 : i32
    %scan3A_25 = arith.constant 25 : i32
    %scan3A_26 = arith.addi %scan3A_24, %scan3A_25 : i32
    %scan3A_27 = arith.constant 1 : i32
    scf.for %scan3A_40 = %scan3A_24 to %scan3A_26 step %scan3A_27  : i32 {
      %mul3A_41 = arith.constant 400 : i32
      %mul3A_42 = arith.muli %scan3A_40, %mul3A_41 : i32
      %add3A_43 = arith.addi %mul3A_22, %mul3A_42 : i32
      "tpu.region"() ({
        %run_scoped3A = tpu.sem_alloc : memref<!tpu.dma_semaphore, #tpu.memory_space<semaphore_mem>>
        %dma_start3A_76 = tpu.memref_slice %arg2[%add3A_43] : memref<320000xi32, #tpu.memory_space<hbm>> -> memref<400xi32, #tpu.memory_space<hbm>>
        %dma_start3A_77 = tpu.memref_slice %arg2[%add3A_43] : memref<320000xi32, #tpu.memory_space<hbm>> -> memref<400xi32, #tpu.memory_space<hbm>>
        tpu.enqueue_dma source(%dma_start3A_77 : memref<400xi32, #tpu.memory_space<hbm>>) target(%arg15 : memref<400xi32, #tpu.memory_space<vmem>>) target_semaphore(%run_scoped3A : memref<!tpu.dma_semaphore, #tpu.memory_space<semaphore_mem>>)
        %dma_wait3A_78 = tpu.memref_slice %arg2[%add3A_43] : memref<320000xi32, #tpu.memory_space<hbm>> -> memref<400xi32, #tpu.memory_space<hbm>>
        %dma_wait3A_79 = tpu.memref_slice %arg2[%add3A_43] : memref<320000xi32, #tpu.memory_space<hbm>> -> memref<400xi32, #tpu.memory_space<hbm>>
        tpu.wait_dma2 semaphore(%run_scoped3A : memref<!tpu.dma_semaphore, #tpu.memory_space<semaphore_mem>>) src(%dma_wait3A_79 : memref<400xi32, #tpu.memory_space<hbm>>) dst(%arg15 : memref<400xi32, #tpu.memory_space<vmem>>)
        tpu.yield
      }) : () -> ()
      "tpu.region"() ({
        %run_scoped3A = tpu.sem_alloc : memref<!tpu.dma_semaphore, #tpu.memory_space<semaphore_mem>>
        %dma_start3A_76 = tpu.memref_slice %arg3[%add3A_43] : memref<320000xi32, #tpu.memory_space<hbm>> -> memref<400xi32, #tpu.memory_space<hbm>>
        %dma_start3A_77 = tpu.memref_slice %arg3[%add3A_43] : memref<320000xi32, #tpu.memory_space<hbm>> -> memref<400xi32, #tpu.memory_space<hbm>>
        tpu.enqueue_dma source(%dma_start3A_77 : memref<400xi32, #tpu.memory_space<hbm>>) target(%arg16 : memref<400xi32, #tpu.memory_space<vmem>>) target_semaphore(%run_scoped3A : memref<!tpu.dma_semaphore, #tpu.memory_space<semaphore_mem>>)
        %dma_wait3A_78 = tpu.memref_slice %arg3[%add3A_43] : memref<320000xi32, #tpu.memory_space<hbm>> -> memref<400xi32, #tpu.memory_space<hbm>>
        %dma_wait3A_79 = tpu.memref_slice %arg3[%add3A_43] : memref<320000xi32, #tpu.memory_space<hbm>> -> memref<400xi32, #tpu.memory_space<hbm>>
        tpu.wait_dma2 semaphore(%run_scoped3A : memref<!tpu.dma_semaphore, #tpu.memory_space<semaphore_mem>>) src(%dma_wait3A_79 : memref<400xi32, #tpu.memory_space<hbm>>) dst(%arg16 : memref<400xi32, #tpu.memory_space<vmem>>)
        tpu.yield
      }) : () -> ()
      "tpu.region"() ({
        %run_scoped3A = tpu.sem_alloc : memref<!tpu.dma_semaphore, #tpu.memory_space<semaphore_mem>>
        %dma_start3A_76 = tpu.memref_slice %arg6[%add3A_43] : memref<320000xf32, #tpu.memory_space<hbm>> -> memref<400xf32, #tpu.memory_space<hbm>>
        %dma_start3A_77 = tpu.memref_slice %arg6[%add3A_43] : memref<320000xf32, #tpu.memory_space<hbm>> -> memref<400xf32, #tpu.memory_space<hbm>>
        tpu.enqueue_dma source(%dma_start3A_77 : memref<400xf32, #tpu.memory_space<hbm>>) target(%arg17 : memref<400xf32, #tpu.memory_space<vmem>>) target_semaphore(%run_scoped3A : memref<!tpu.dma_semaphore, #tpu.memory_space<semaphore_mem>>)
        %dma_wait3A_78 = tpu.memref_slice %arg6[%add3A_43] : memref<320000xf32, #tpu.memory_space<hbm>> -> memref<400xf32, #tpu.memory_space<hbm>>
        %dma_wait3A_79 = tpu.memref_slice %arg6[%add3A_43] : memref<320000xf32, #tpu.memory_space<hbm>> -> memref<400xf32, #tpu.memory_space<hbm>>
        tpu.wait_dma2 semaphore(%run_scoped3A : memref<!tpu.dma_semaphore, #tpu.memory_space<semaphore_mem>>) src(%dma_wait3A_79 : memref<400xf32, #tpu.memory_space<hbm>>) dst(%arg17 : memref<400xf32, #tpu.memory_space<vmem>>)
        tpu.yield
      }) : () -> ()
      %jit3A = arith.constant 8 : i32
      %div3A = arith.divsi %add3A_43, %jit3A : i32
      %sign3A = arith.constant 0 : i32
      %sign3A_44 = arith.cmpi sgt, %add3A_43, %sign3A : i32
      %sign3A_45 = arith.extui %sign3A_44 : i1 to i32
      %sign3A_46 = arith.constant 0 : i32
      %sign3A_47 = arith.cmpi slt, %add3A_43, %sign3A_46 : i32
      %sign3A_48 = arith.extui %sign3A_47 : i1 to i32
      %sign3A_49 = arith.subi %sign3A_45, %sign3A_48 : i32
      %sign3A_50 = arith.constant 0 : i32
      %sign3A_51 = arith.cmpi sgt, %jit3A, %sign3A_50 : i32
      %sign3A_52 = arith.extui %sign3A_51 : i1 to i32
      %sign3A_53 = arith.constant 0 : i32
      %sign3A_54 = arith.cmpi slt, %jit3A, %sign3A_53 : i32
      %sign3A_55 = arith.extui %sign3A_54 : i1 to i32
      %sign3A_56 = arith.subi %sign3A_52, %sign3A_55 : i32
      %ne3A = arith.cmpi ne, %sign3A_49, %sign3A_56 : i32
      %rem3A = arith.remsi %add3A_43, %jit3A : i32
      %ne3A_57 = arith.constant 0 : i32
      %ne3A_58 = arith.cmpi ne, %rem3A, %ne3A_57 : i32
      %and3A = arith.andi %ne3A, %ne3A_58 : i1
      %sub3A = arith.constant 1 : i32
      %sub3A_59 = arith.subi %div3A, %sub3A : i32
      %select_n3A = arith.select %and3A, %sub3A_59, %div3A : i32
      "tpu.region"() ({
        %run_scoped3A = tpu.sem_alloc : memref<!tpu.dma_semaphore, #tpu.memory_space<semaphore_mem>>
        %dma_start3A_76 = arith.constant 0 : i32
        %dma_start3A_77 = tpu.memref_slice %arg8[%select_n3A, %dma_start3A_76] : memref<40000x128xf32, #tpu.memory_space<hbm>> -> memref<50x128xf32, #tpu.memory_space<hbm>>
        %dma_start3A_78 = arith.constant 0 : i32
        %dma_start3A_79 = tpu.memref_slice %arg8[%select_n3A, %dma_start3A_78] : memref<40000x128xf32, #tpu.memory_space<hbm>> -> memref<50x128xf32, #tpu.memory_space<hbm>>
        tpu.enqueue_dma source(%dma_start3A_79 : memref<50x128xf32, #tpu.memory_space<hbm>>) target(%arg20 : memref<50x128xf32, #tpu.memory_space<vmem>>) target_semaphore(%run_scoped3A : memref<!tpu.dma_semaphore, #tpu.memory_space<semaphore_mem>>)
        %dma_wait3A_80 = arith.constant 0 : i32
        %dma_wait3A_81 = tpu.memref_slice %arg8[%select_n3A, %dma_wait3A_80] : memref<40000x128xf32, #tpu.memory_space<hbm>> -> memref<50x128xf32, #tpu.memory_space<hbm>>
        %dma_wait3A_82 = arith.constant 0 : i32
        %dma_wait3A_83 = tpu.memref_slice %arg8[%select_n3A, %dma_wait3A_82] : memref<40000x128xf32, #tpu.memory_space<hbm>> -> memref<50x128xf32, #tpu.memory_space<hbm>>
        tpu.wait_dma2 semaphore(%run_scoped3A : memref<!tpu.dma_semaphore, #tpu.memory_space<semaphore_mem>>) src(%dma_wait3A_83 : memref<50x128xf32, #tpu.memory_space<hbm>>) dst(%arg20 : memref<50x128xf32, #tpu.memory_space<vmem>>)
        tpu.yield
      }) : () -> ()
      %dma_start3A = arith.constant 0 : i32
      %dma_start3A_60 = arith.constant 0 : i32
      %dma_start3A_61 = tpu.memref_slice %arg7[%dma_start3A, %dma_start3A_60] : memref<10000x32xf32, #tpu.memory_space<hbm>> -> memref<10000x32xf32, #tpu.memory_space<hbm>>
      tpu.enqueue_indirect_dma source(%dma_start3A_61 : memref<10000x32xf32, #tpu.memory_space<hbm>>) target(%arg19 : memref<400x32xf32, #tpu.memory_space<vmem>>) offsets(%arg15 : memref<400xi32, #tpu.memory_space<vmem>>) semaphore(%arg24 : memref<!tpu.dma_semaphore, #tpu.memory_space<semaphore_mem>>)
      %scan3A_62 = arith.constant 0 : i32
      %scan3A_63 = arith.constant 0 : i32
      %scan3A_64 = arith.constant 25 : i32
      %scan3A_65 = arith.addi %scan3A_63, %scan3A_64 : i32
      %scan3A_66 = arith.constant 1 : i32
      scf.for %scan3A_76 = %scan3A_63 to %scan3A_65 step %scan3A_66  : i32 {
        %mul3A_77 = arith.constant 16 : i32
        %mul3A_78 = arith.muli %scan3A_76, %mul3A_77 : i32
        %get3A = arith.index_cast %mul3A_78 : i32 to index
        %get3A_79 = tpu.vector_load %arg15[%get3A] {strides = array<i32>} : memref<400xi32, #tpu.memory_space<vmem>>, vector<16xi32>,
        %gather3A = tpu.vector_load_idx %arg13[%get3A_79] : memref<10000xf32, #tpu.memory_space<vmem>>[vector<16xi32>], vector<16xf32>,
        %get3A_80 = arith.index_cast %mul3A_78 : i32 to index
        %get3A_81 = tpu.vector_load %arg16[%get3A_80] {strides = array<i32>} : memref<400xi32, #tpu.memory_space<vmem>>, vector<16xi32>,
        %gather3A_82 = tpu.vector_load_idx %arg14[%get3A_81] : memref<10000xf32, #tpu.memory_space<vmem>>[vector<16xi32>], vector<16xf32>,
        %add3A_83 = arith.addf %gather3A, %gather3A_82 : vector<16xf32>
        %get3A_84 = arith.index_cast %mul3A_78 : i32 to index
        %get3A_85 = tpu.vector_load %arg17[%get3A_84] {strides = array<i32>} : memref<400xf32, #tpu.memory_space<vmem>>, vector<16xf32>,
        %add3A_86 = arith.addf %add3A_83, %get3A_85 : vector<16xf32>
        %mul3A_87 = arith.constant 0.00999999977 : f32
        %mul3A_88 = vector.broadcast %mul3A_87 : f32 to vector<16xf32>
        %mul3A_89 = arith.mulf %mul3A_88, %add3A_86 : vector<16xf32>
        %max3A = arith.maximumf %add3A_86, %mul3A_89 : vector<16xf32>
        %exp3A = math.exp %max3A : vector<16xf32>
        %swap3A = arith.index_cast %mul3A_78 : i32 to index
        %swap3A_90 = tpu.vector_load %arg18[%swap3A] {strides = array<i32>} : memref<400xf32, #tpu.memory_space<vmem>>, vector<16xf32>,
        tpu.vector_store %arg18[%swap3A], %exp3A {strides = array<i32>} : memref<400xf32, #tpu.memory_space<vmem>>, vector<16xf32>,
      }
      %scan3A_67 = arith.constant 25 : i32
      "tpu.region"() ({
        %run_scoped3A = tpu.sem_alloc : memref<!tpu.dma_semaphore, #tpu.memory_space<semaphore_mem>>
        %dma_start3A_76 = arith.constant 0 : i32
        %dma_start3A_77 = tpu.memref_slice %arg12[%dma_start3A_76] : memref<10240xf32, #tpu.memory_space<vmem_shared>> -> memref<10240xf32, #tpu.memory_space<vmem_shared>>
        tpu.enqueue_indirect_dma source(%arg18 : memref<400xf32, #tpu.memory_space<vmem>>) target(%dma_start3A_77 : memref<10240xf32, #tpu.memory_space<vmem_shared>>) offsets(%arg16 : memref<400xi32, #tpu.memory_space<vmem>>) semaphore(%run_scoped3A : memref<!tpu.dma_semaphore, #tpu.memory_space<semaphore_mem>>) {add = true}
        %dma_wait3A_78 = arith.constant 0 : i32
        %dma_wait3A_79 = tpu.memref_slice %arg12[%dma_wait3A_78] : memref<10240xf32, #tpu.memory_space<vmem_shared>> -> memref<10240xf32, #tpu.memory_space<vmem_shared>>
        tpu.wait_indirect_dma semaphore(%run_scoped3A : memref<!tpu.dma_semaphore, #tpu.memory_space<semaphore_mem>>) src(%arg18 : memref<400xf32, #tpu.memory_space<vmem>>) dst(%dma_wait3A_79 : memref<10240xf32, #tpu.memory_space<vmem_shared>>)
        tpu.yield
      }) : () -> ()
      %dma_wait3A = arith.constant 0 : i32
      %dma_wait3A_68 = arith.constant 0 : i32
      %dma_wait3A_69 = tpu.memref_slice %arg7[%dma_wait3A, %dma_wait3A_68] : memref<10000x32xf32, #tpu.memory_space<hbm>> -> memref<10000x32xf32, #tpu.memory_space<hbm>>
      tpu.wait_indirect_dma semaphore(%arg24 : memref<!tpu.dma_semaphore, #tpu.memory_space<semaphore_mem>>) src(%dma_wait3A_69 : memref<10000x32xf32, #tpu.memory_space<hbm>>) dst(%arg19 : memref<400x32xf32, #tpu.memory_space<vmem>>)
      %scan3A_70 = arith.constant 0 : i32
      %scan3A_71 = arith.constant 0 : i32
      %scan3A_72 = arith.constant 25 : i32
      %scan3A_73 = arith.addi %scan3A_71, %scan3A_72 : i32
      %scan3A_74 = arith.constant 1 : i32
      scf.for %scan3A_76 = %scan3A_71 to %scan3A_73 step %scan3A_74  : i32 {
        %mul3A_77 = arith.constant 16 : i32
        %mul3A_78 = arith.muli %scan3A_76, %mul3A_77 : i32
        %get3A = arith.index_cast %mul3A_78 : i32 to index
        %get3A_79 = tpu.vector_load %arg18[%get3A] {strides = array<i32>} : memref<400xf32, #tpu.memory_space<vmem>>, vector<16xf32>,
        %mul3A_80 = arith.constant 16 : i32
        %mul3A_81 = arith.muli %scan3A_76, %mul3A_80 : i32
        %add3A_82 = arith.constant 0 : i32
        %add3A_83 = arith.addi %mul3A_81, %add3A_82 : i32
        %slice3A = vector.extract_strided_slice %get3A_79 {offsets = [0], sizes = [1], strides = [1]} : vector<16xf32> to vector<1xf32>
        %squeeze3A = vector.extract %slice3A[0] : f32 from vector<1xf32>
        %get3A_84 = arith.index_cast %add3A_83 : i32 to index
        %get3A_85 = arith.constant 0 : index
        %get3A_86 = tpu.vector_load %arg19[%get3A_84, %get3A_85] {strides = array<i32>} : memref<400x32xf32, #tpu.memory_space<vmem>>, vector<16xf32>,
        %mul3A_87 = vector.broadcast %squeeze3A : f32 to vector<16xf32>
        %mul3A_88 = arith.mulf %mul3A_87, %get3A_86 : vector<16xf32>
        %swap3A = arith.index_cast %add3A_83 : i32 to index
        %swap3A_89 = arith.constant 0 : index
        %swap3A_90 = tpu.vector_load %arg21[%swap3A, %swap3A_89] {strides = array<i32>} : memref<400x48xf32, #tpu.memory_space<vmem>>, vector<16xf32>,
        tpu.vector_store %arg21[%swap3A, %swap3A_89], %mul3A_88 {strides = array<i32>} : memref<400x48xf32, #tpu.memory_space<vmem>>, vector<16xf32>,
        %get3A_91 = arith.index_cast %add3A_83 : i32 to index
        %get3A_92 = arith.constant 16 : index
        %get3A_93 = tpu.vector_load %arg19[%get3A_91, %get3A_92] {strides = array<i32>} : memref<400x32xf32, #tpu.memory_space<vmem>>, vector<16xf32>,
        %mul3A_94 = vector.broadcast %squeeze3A : f32 to vector<16xf32>
        %mul3A_95 = arith.mulf %mul3A_94, %get3A_93 : vector<16xf32>
        %swap3A_96 = arith.index_cast %add3A_83 : i32 to index
        %swap3A_97 = arith.constant 16 : index
        %swap3A_98 = tpu.vector_load %arg21[%swap3A_96, %swap3A_97] {strides = array<i32>} : memref<400x48xf32, #tpu.memory_space<vmem>>, vector<16xf32>,
        tpu.vector_store %arg21[%swap3A_96, %swap3A_97], %mul3A_95 {strides = array<i32>} : memref<400x48xf32, #tpu.memory_space<vmem>>, vector<16xf32>,
        %mul3A_99 = arith.constant 2 : i32
        %mul3A_100 = arith.muli %mul3A_99, %scan3A_76 : i32
        %add3A_101 = arith.constant 0 : i32
        %add3A_102 = arith.addi %mul3A_100, %add3A_101 : i32
        %get3A_103 = arith.index_cast %add3A_102 : i32 to index
        %get3A_104 = arith.constant 0 : index
        %get3A_105 = tpu.vector_load %arg20[%get3A_103, %get3A_104] {strides = array<i32>} : memref<50x128xf32, #tpu.memory_space<vmem>>, vector<16xf32>,
        %mul3A_106 = vector.broadcast %squeeze3A : f32 to vector<16xf32>
        %mul3A_107 = arith.mulf %mul3A_106, %get3A_105 : vector<16xf32>
        %swap3A_108 = arith.index_cast %add3A_83 : i32 to index
        %swap3A_109 = arith.constant 32 : index
        %swap3A_110 = tpu.vector_load %arg21[%swap3A_108, %swap3A_109] {strides = array<i32>} : memref<400x48xf32, #tpu.memory_space<vmem>>, vector<16xf32>,
        tpu.vector_store %arg21[%swap3A_108, %swap3A_109], %mul3A_107 {strides = array<i32>} : memref<400x48xf32, #tpu.memory_space<vmem>>, vector<16xf32>,
        %mul3A_111 = arith.constant 16 : i32
        %mul3A_112 = arith.muli %scan3A_76, %mul3A_111 : i32
        %add3A_113 = arith.constant 1 : i32
        %add3A_114 = arith.addi %mul3A_112, %add3A_113 : i32
        %slice3A_115 = vector.extract_strided_slice %get3A_79 {offsets = [1], sizes = [1], strides = [1]} : vector<16xf32> to vector<1xf32>
        %squeeze3A_116 = vector.extract %slice3A_115[0] : f32 from vector<1xf32>
        %get3A_117 = arith.index_cast %add3A_114 : i32 to index
        %get3A_118 = arith.constant 0 : index
        %get3A_119 = tpu.vector_load %arg19[%get3A_117, %get3A_118] {strides = array<i32>} : memref<400x32xf32, #tpu.memory_space<vmem>>, vector<16xf32>,
        %mul3A_120 = vector.broadcast %squeeze3A_116 : f32 to vector<16xf32>
        %mul3A_121 = arith.mulf %mul3A_120, %get3A_119 : vector<16xf32>
        %swap3A_122 = arith.index_cast %add3A_114 : i32 to index
        %swap3A_123 = arith.constant 0 : index
        %swap3A_124 = tpu.vector_load %arg21[%swap3A_122, %swap3A_123] {strides = array<i32>} : memref<400x48xf32, #tpu.memory_space<vmem>>, vector<16xf32>,
        tpu.vector_store %arg21[%swap3A_122, %swap3A_123], %mul3A_121 {strides = array<i32>} : memref<400x48xf32, #tpu.memory_space<vmem>>, vector<16xf32>,
        %get3A_125 = arith.index_cast %add3A_114 : i32 to index
        %get3A_126 = arith.constant 16 : index
        %get3A_127 = tpu.vector_load %arg19[%get3A_125, %get3A_126] {strides = array<i32>} : memref<400x32xf32, #tpu.memory_space<vmem>>, vector<16xf32>,
        %mul3A_128 = vector.broadcast %squeeze3A_116 : f32 to vector<16xf32>
        %mul3A_129 = arith.mulf %mul3A_128, %get3A_127 : vector<16xf32>
        %swap3A_130 = arith.index_cast %add3A_114 : i32 to index
        %swap3A_131 = arith.constant 16 : index
        %swap3A_132 = tpu.vector_load %arg21[%swap3A_130, %swap3A_131] {strides = array<i32>} : memref<400x48xf32, #tpu.memory_space<vmem>>, vector<16xf32>,
        tpu.vector_store %arg21[%swap3A_130, %swap3A_131], %mul3A_129 {strides = array<i32>} : memref<400x48xf32, #tpu.memory_space<vmem>>, vector<16xf32>,
        %mul3A_133 = arith.constant 2 : i32
        %mul3A_134 = arith.muli %mul3A_133, %scan3A_76 : i32
        %add3A_135 = arith.constant 0 : i32
        %add3A_136 = arith.addi %mul3A_134, %add3A_135 : i32
        %get3A_137 = arith.index_cast %add3A_136 : i32 to index
        %get3A_138 = arith.constant 16 : index
        %get3A_139 = tpu.vector_load %arg20[%get3A_137, %get3A_138] {strides = array<i32>} : memref<50x128xf32, #tpu.memory_space<vmem>>, vector<16xf32>,
        %mul3A_140 = vector.broadcast %squeeze3A_116 : f32 to vector<16xf32>
        %mul3A_141 = arith.mulf %mul3A_140, %get3A_139 : vector<16xf32>
        %swap3A_142 = arith.index_cast %add3A_114 : i32 to index
        %swap3A_143 = arith.constant 32 : index
        %swap3A_144 = tpu.vector_load %arg21[%swap3A_142, %swap3A_143] {strides = array<i32>} : memref<400x48xf32, #tpu.memory_space<vmem>>, vector<16xf32>,
        tpu.vector_store %arg21[%swap3A_142, %swap3A_143], %mul3A_141 {strides = array<i32>} : memref<400x48xf32, #tpu.memory_space<vmem>>, vector<16xf32>,
        %mul3A_145 = arith.constant 16 : i32
        %mul3A_146 = arith.muli %scan3A_76, %mul3A_145 : i32
        %add3A_147 = arith.constant 2 : i32
        %add3A_148 = arith.addi %mul3A_146, %add3A_147 : i32
        %slice3A_149 = vector.extract_strided_slice %get3A_79 {offsets = [2], sizes = [1], strides = [1]} : vector<16xf32> to vector<1xf32>
        %squeeze3A_150 = vector.extract %slice3A_149[0] : f32 from vector<1xf32>
        %get3A_151 = arith.index_cast %add3A_148 : i32 to index
        %get3A_152 = arith.constant 0 : index
        %get3A_153 = tpu.vector_load %arg19[%get3A_151, %get3A_152] {strides = array<i32>} : memref<400x32xf32, #tpu.memory_space<vmem>>, vector<16xf32>,
        %mul3A_154 = vector.broadcast %squeeze3A_150 : f32 to vector<16xf32>
        %mul3A_155 = arith.mulf %mul3A_154, %get3A_153 : vector<16xf32>
        %swap3A_156 = arith.index_cast %add3A_148 : i32 to index
        %swap3A_157 = arith.constant 0 : index
        %swap3A_158 = tpu.vector_load %arg21[%swap3A_156, %swap3A_157] {strides = array<i32>} : memref<400x48xf32, #tpu.memory_space<vmem>>, vector<16xf32>,
        tpu.vector_store %arg21[%swap3A_156, %swap3A_157], %mul3A_155 {strides = array<i32>} : memref<400x48xf32, #tpu.memory_space<vmem>>, vector<16xf32>,
        %get3A_159 = arith.index_cast %add3A_148 : i32 to index
        %get3A_160 = arith.constant 16 : index
        %get3A_161 = tpu.vector_load %arg19[%get3A_159, %get3A_160] {strides = array<i32>} : memref<400x32xf32, #tpu.memory_space<vmem>>, vector<16xf32>,
        %mul3A_162 = vector.broadcast %squeeze3A_150 : f32 to vector<16xf32>
        %mul3A_163 = arith.mulf %mul3A_162, %get3A_161 : vector<16xf32>
        %swap3A_164 = arith.index_cast %add3A_148 : i32 to index
        %swap3A_165 = arith.constant 16 : index
        %swap3A_166 = tpu.vector_load %arg21[%swap3A_164, %swap3A_165] {strides = array<i32>} : memref<400x48xf32, #tpu.memory_space<vmem>>, vector<16xf32>,
        tpu.vector_store %arg21[%swap3A_164, %swap3A_165], %mul3A_163 {strides = array<i32>} : memref<400x48xf32, #tpu.memory_space<vmem>>, vector<16xf32>,
        %mul3A_167 = arith.constant 2 : i32
        %mul3A_168 = arith.muli %mul3A_167, %scan3A_76 : i32
        %add3A_169 = arith.constant 0 : i32
        %add3A_170 = arith.addi %mul3A_168, %add3A_169 : i32
        %get3A_171 = arith.index_cast %add3A_170 : i32 to index
        %get3A_172 = arith.constant 32 : index
        %get3A_173 = tpu.vector_load %arg20[%get3A_171, %get3A_172] {strides = array<i32>} : memref<50x128xf32, #tpu.memory_space<vmem>>, vector<16xf32>,
        %mul3A_174 = vector.broadcast %squeeze3A_150 : f32 to vector<16xf32>
        %mul3A_175 = arith.mulf %mul3A_174, %get3A_173 : vector<16xf32>
        %swap3A_176 = arith.index_cast %add3A_148 : i32 to index
        %swap3A_177 = arith.constant 32 : index
        %swap3A_178 = tpu.vector_load %arg21[%swap3A_176, %swap3A_177] {strides = array<i32>} : memref<400x48xf32, #tpu.memory_space<vmem>>, vector<16xf32>,
        tpu.vector_store %arg21[%swap3A_176, %swap3A_177], %mul3A_175 {strides = array<i32>} : memref<400x48xf32, #tpu.memory_space<vmem>>, vector<16xf32>,
        %mul3A_179 = arith.constant 16 : i32
        %mul3A_180 = arith.muli %scan3A_76, %mul3A_179 : i32
        %add3A_181 = arith.constant 3 : i32
        %add3A_182 = arith.addi %mul3A_180, %add3A_181 : i32
        %slice3A_183 = vector.extract_strided_slice %get3A_79 {offsets = [3], sizes = [1], strides = [1]} : vector<16xf32> to vector<1xf32>
        %squeeze3A_184 = vector.extract %slice3A_183[0] : f32 from vector<1xf32>
        %get3A_185 = arith.index_cast %add3A_182 : i32 to index
        %get3A_186 = arith.constant 0 : index
        %get3A_187 = tpu.vector_load %arg19[%get3A_185, %get3A_186] {strides = array<i32>} : memref<400x32xf32, #tpu.memory_space<vmem>>, vector<16xf32>,
        %mul3A_188 = vector.broadcast %squeeze3A_184 : f32 to vector<16xf32>
        %mul3A_189 = arith.mulf %mul3A_188, %get3A_187 : vector<16xf32>
        %swap3A_190 = arith.index_cast %add3A_182 : i32 to index
        %swap3A_191 = arith.constant 0 : index
        %swap3A_192 = tpu.vector_load %arg21[%swap3A_190, %swap3A_191] {strides = array<i32>} : memref<400x48xf32, #tpu.memory_space<vmem>>, vector<16xf32>,
        tpu.vector_store %arg21[%swap3A_190, %swap3A_191], %mul3A_189 {strides = array<i32>} : memref<400x48xf32, #tpu.memory_space<vmem>>, vector<16xf32>,
        %get3A_193 = arith.index_cast %add3A_182 : i32 to index
        %get3A_194 = arith.constant 16 : index
        %get3A_195 = tpu.vector_load %arg19[%get3A_193, %get3A_194] {strides = array<i32>} : memref<400x32xf32, #tpu.memory_space<vmem>>, vector<16xf32>,
        %mul3A_196 = vector.broadcast %squeeze3A_184 : f32 to vector<16xf32>
        %mul3A_197 = arith.mulf %mul3A_196, %get3A_195 : vector<16xf32>
        %swap3A_198 = arith.index_cast %add3A_182 : i32 to index
        %swap3A_199 = arith.constant 16 : index
        %swap3A_200 = tpu.vector_load %arg21[%swap3A_198, %swap3A_199] {strides = array<i32>} : memref<400x48xf32, #tpu.memory_space<vmem>>, vector<16xf32>,
        tpu.vector_store %arg21[%swap3A_198, %swap3A_199], %mul3A_197 {strides = array<i32>} : memref<400x48xf32, #tpu.memory_space<vmem>>, vector<16xf32>,
        %mul3A_201 = arith.constant 2 : i32
        %mul3A_202 = arith.muli %mul3A_201, %scan3A_76 : i32
        %add3A_203 = arith.constant 0 : i32
        %add3A_204 = arith.addi %mul3A_202, %add3A_203 : i32
        %get3A_205 = arith.index_cast %add3A_204 : i32 to index
        %get3A_206 = arith.constant 48 : index
        %get3A_207 = tpu.vector_load %arg20[%get3A_205, %get3A_206] {strides = array<i32>} : memref<50x128xf32, #tpu.memory_space<vmem>>, vector<16xf32>,
        %mul3A_208 = vector.broadcast %squeeze3A_184 : f32 to vector<16xf32>
        %mul3A_209 = arith.mulf %mul3A_208, %get3A_207 : vector<16xf32>
        %swap3A_210 = arith.index_cast %add3A_182 : i32 to index
        %swap3A_211 = arith.constant 32 : index
        %swap3A_212 = tpu.vector_load %arg21[%swap3A_210, %swap3A_211] {strides = array<i32>} : memref<400x48xf32, #tpu.memory_space<vmem>>, vector<16xf32>,
        tpu.vector_store %arg21[%swap3A_210, %swap3A_211], %mul3A_209 {strides = array<i32>} : memref<400x48xf32, #tpu.memory_space<vmem>>, vector<16xf32>,
        %mul3A_213 = arith.constant 16 : i32
        %mul3A_214 = arith.muli %scan3A_76, %mul3A_213 : i32
        %add3A_215 = arith.constant 4 : i32
        %add3A_216 = arith.addi %mul3A_214, %add3A_215 : i32
        %slice3A_217 = vector.extract_strided_slice %get3A_79 {offsets = [4], sizes = [1], strides = [1]} : vector<16xf32> to vector<1xf32>
        %squeeze3A_218 = vector.extract %slice3A_217[0] : f32 from vector<1xf32>
        %get3A_219 = arith.index_cast %add3A_216 : i32 to index
        %get3A_220 = arith.constant 0 : index
        %get3A_221 = tpu.vector_load %arg19[%get3A_219, %get3A_220] {strides = array<i32>} : memref<400x32xf32, #tpu.memory_space<vmem>>, vector<16xf32>,
        %mul3A_222 = vector.broadcast %squeeze3A_218 : f32 to vector<16xf32>
        %mul3A_223 = arith.mulf %mul3A_222, %get3A_221 : vector<16xf32>
        %swap3A_224 = arith.index_cast %add3A_216 : i32 to index
        %swap3A_225 = arith.constant 0 : index
        %swap3A_226 = tpu.vector_load %arg21[%swap3A_224, %swap3A_225] {strides = array<i32>} : memref<400x48xf32, #tpu.memory_space<vmem>>, vector<16xf32>,
        tpu.vector_store %arg21[%swap3A_224, %swap3A_225], %mul3A_223 {strides = array<i32>} : memref<400x48xf32, #tpu.memory_space<vmem>>, vector<16xf32>,
        %get3A_227 = arith.index_cast %add3A_216 : i32 to index
        %get3A_228 = arith.constant 16 : index
        %get3A_229 = tpu.vector_load %arg19[%get3A_227, %get3A_228] {strides = array<i32>} : memref<400x32xf32, #tpu.memory_space<vmem>>, vector<16xf32>,
        %mul3A_230 = vector.broadcast %squeeze3A_218 : f32 to vector<16xf32>
        %mul3A_231 = arith.mulf %mul3A_230, %get3A_229 : vector<16xf32>
        %swap3A_232 = arith.index_cast %add3A_216 : i32 to index
        %swap3A_233 = arith.constant 16 : index
        %swap3A_234 = tpu.vector_load %arg21[%swap3A_232, %swap3A_233] {strides = array<i32>} : memref<400x48xf32, #tpu.memory_space<vmem>>, vector<16xf32>,
        tpu.vector_store %arg21[%swap3A_232, %swap3A_233], %mul3A_231 {strides = array<i32>} : memref<400x48xf32, #tpu.memory_space<vmem>>, vector<16xf32>,
        %mul3A_235 = arith.constant 2 : i32
        %mul3A_236 = arith.muli %mul3A_235, %scan3A_76 : i32
        %add3A_237 = arith.constant 0 : i32
        %add3A_238 = arith.addi %mul3A_236, %add3A_237 : i32
        %get3A_239 = arith.index_cast %add3A_238 : i32 to index
        %get3A_240 = arith.constant 64 : index
        %get3A_241 = tpu.vector_load %arg20[%get3A_239, %get3A_240] {strides = array<i32>} : memref<50x128xf32, #tpu.memory_space<vmem>>, vector<16xf32>,
        %mul3A_242 = vector.broadcast %squeeze3A_218 : f32 to vector<16xf32>
        %mul3A_243 = arith.mulf %mul3A_242, %get3A_241 : vector<16xf32>
        %swap3A_244 = arith.index_cast %add3A_216 : i32 to index
        %swap3A_245 = arith.constant 32 : index
        %swap3A_246 = tpu.vector_load %arg21[%swap3A_244, %swap3A_245] {strides = array<i32>} : memref<400x48xf32, #tpu.memory_space<vmem>>, vector<16xf32>,
        tpu.vector_store %arg21[%swap3A_244, %swap3A_245], %mul3A_243 {strides = array<i32>} : memref<400x48xf32, #tpu.memory_space<vmem>>, vector<16xf32>,
        %mul3A_247 = arith.constant 16 : i32
        %mul3A_248 = arith.muli %scan3A_76, %mul3A_247 : i32
        %add3A_249 = arith.constant 5 : i32
        %add3A_250 = arith.addi %mul3A_248, %add3A_249 : i32
        %slice3A_251 = vector.extract_strided_slice %get3A_79 {offsets = [5], sizes = [1], strides = [1]} : vector<16xf32> to vector<1xf32>
        %squeeze3A_252 = vector.extract %slice3A_251[0] : f32 from vector<1xf32>
        %get3A_253 = arith.index_cast %add3A_250 : i32 to index
        %get3A_254 = arith.constant 0 : index
        %get3A_255 = tpu.vector_load %arg19[%get3A_253, %get3A_254] {strides = array<i32>} : memref<400x32xf32, #tpu.memory_space<vmem>>, vector<16xf32>,
        %mul3A_256 = vector.broadcast %squeeze3A_252 : f32 to vector<16xf32>
        %mul3A_257 = arith.mulf %mul3A_256, %get3A_255 : vector<16xf32>
        %swap3A_258 = arith.index_cast %add3A_250 : i32 to index
        %swap3A_259 = arith.constant 0 : index
        %swap3A_260 = tpu.vector_load %arg21[%swap3A_258, %swap3A_259] {strides = array<i32>} : memref<400x48xf32, #tpu.memory_space<vmem>>, vector<16xf32>,
        tpu.vector_store %arg21[%swap3A_258, %swap3A_259], %mul3A_257 {strides = array<i32>} : memref<400x48xf32, #tpu.memory_space<vmem>>, vector<16xf32>,
        %get3A_261 = arith.index_cast %add3A_250 : i32 to index
        %get3A_262 = arith.constant 16 : index
        %get3A_263 = tpu.vector_load %arg19[%get3A_261, %get3A_262] {strides = array<i32>} : memref<400x32xf32, #tpu.memory_space<vmem>>, vector<16xf32>,
        %mul3A_264 = vector.broadcast %squeeze3A_252 : f32 to vector<16xf32>
        %mul3A_265 = arith.mulf %mul3A_264, %get3A_263 : vector<16xf32>
        %swap3A_266 = arith.index_cast %add3A_250 : i32 to index
        %swap3A_267 = arith.constant 16 : index
        %swap3A_268 = tpu.vector_load %arg21[%swap3A_266, %swap3A_267] {strides = array<i32>} : memref<400x48xf32, #tpu.memory_space<vmem>>, vector<16xf32>,
        tpu.vector_store %arg21[%swap3A_266, %swap3A_267], %mul3A_265 {strides = array<i32>} : memref<400x48xf32, #tpu.memory_space<vmem>>, vector<16xf32>,
        %mul3A_269 = arith.constant 2 : i32
        %mul3A_270 = arith.muli %mul3A_269, %scan3A_76 : i32
        %add3A_271 = arith.constant 0 : i32
        %add3A_272 = arith.addi %mul3A_270, %add3A_271 : i32
        %get3A_273 = arith.index_cast %add3A_272 : i32 to index
        %get3A_274 = arith.constant 80 : index
        %get3A_275 = tpu.vector_load %arg20[%get3A_273, %get3A_274] {strides = array<i32>} : memref<50x128xf32, #tpu.memory_space<vmem>>, vector<16xf32>,
        %mul3A_276 = vector.broadcast %squeeze3A_252 : f32 to vector<16xf32>
        %mul3A_277 = arith.mulf %mul3A_276, %get3A_275 : vector<16xf32>
        %swap3A_278 = arith.index_cast %add3A_250 : i32 to index
        %swap3A_279 = arith.constant 32 : index
        %swap3A_280 = tpu.vector_load %arg21[%swap3A_278, %swap3A_279] {strides = array<i32>} : memref<400x48xf32, #tpu.memory_space<vmem>>, vector<16xf32>,
        tpu.vector_store %arg21[%swap3A_278, %swap3A_279], %mul3A_277 {strides = array<i32>} : memref<400x48xf32, #tpu.memory_space<vmem>>, vector<16xf32>,
        %mul3A_281 = arith.constant 16 : i32
        %mul3A_282 = arith.muli %scan3A_76, %mul3A_281 : i32
        %add3A_283 = arith.constant 6 : i32
        %add3A_284 = arith.addi %mul3A_282, %add3A_283 : i32
        %slice3A_285 = vector.extract_strided_slice %get3A_79 {offsets = [6], sizes = [1], strides = [1]} : vector<16xf32> to vector<1xf32>
        %squeeze3A_286 = vector.extract %slice3A_285[0] : f32 from vector<1xf32>
        %get3A_287 = arith.index_cast %add3A_284 : i32 to index
        %get3A_288 = arith.constant 0 : index
        %get3A_289 = tpu.vector_load %arg19[%get3A_287, %get3A_288] {strides = array<i32>} : memref<400x32xf32, #tpu.memory_space<vmem>>, vector<16xf32>,
        %mul3A_290 = vector.broadcast %squeeze3A_286 : f32 to vector<16xf32>
        %mul3A_291 = arith.mulf %mul3A_290, %get3A_289 : vector<16xf32>
        %swap3A_292 = arith.index_cast %add3A_284 : i32 to index
        %swap3A_293 = arith.constant 0 : index
        %swap3A_294 = tpu.vector_load %arg21[%swap3A_292, %swap3A_293] {strides = array<i32>} : memref<400x48xf32, #tpu.memory_space<vmem>>, vector<16xf32>,
        tpu.vector_store %arg21[%swap3A_292, %swap3A_293], %mul3A_291 {strides = array<i32>} : memref<400x48xf32, #tpu.memory_space<vmem>>, vector<16xf32>,
        %get3A_295 = arith.index_cast %add3A_284 : i32 to index
        %get3A_296 = arith.constant 16 : index
        %get3A_297 = tpu.vector_load %arg19[%get3A_295, %get3A_296] {strides = array<i32>} : memref<400x32xf32, #tpu.memory_space<vmem>>, vector<16xf32>,
        %mul3A_298 = vector.broadcast %squeeze3A_286 : f32 to vector<16xf32>
        %mul3A_299 = arith.mulf %mul3A_298, %get3A_297 : vector<16xf32>
        %swap3A_300 = arith.index_cast %add3A_284 : i32 to index
        %swap3A_301 = arith.constant 16 : index
        %swap3A_302 = tpu.vector_load %arg21[%swap3A_300, %swap3A_301] {strides = array<i32>} : memref<400x48xf32, #tpu.memory_space<vmem>>, vector<16xf32>,
        tpu.vector_store %arg21[%swap3A_300, %swap3A_301], %mul3A_299 {strides = array<i32>} : memref<400x48xf32, #tpu.memory_space<vmem>>, vector<16xf32>,
        %mul3A_303 = arith.constant 2 : i32
        %mul3A_304 = arith.muli %mul3A_303, %scan3A_76 : i32
        %add3A_305 = arith.constant 0 : i32
        %add3A_306 = arith.addi %mul3A_304, %add3A_305 : i32
        %get3A_307 = arith.index_cast %add3A_306 : i32 to index
        %get3A_308 = arith.constant 96 : index
        %get3A_309 = tpu.vector_load %arg20[%get3A_307, %get3A_308] {strides = array<i32>} : memref<50x128xf32, #tpu.memory_space<vmem>>, vector<16xf32>,
        %mul3A_310 = vector.broadcast %squeeze3A_286 : f32 to vector<16xf32>
        %mul3A_311 = arith.mulf %mul3A_310, %get3A_309 : vector<16xf32>
        %swap3A_312 = arith.index_cast %add3A_284 : i32 to index
        %swap3A_313 = arith.constant 32 : index
        %swap3A_314 = tpu.vector_load %arg21[%swap3A_312, %swap3A_313] {strides = array<i32>} : memref<400x48xf32, #tpu.memory_space<vmem>>, vector<16xf32>,
        tpu.vector_store %arg21[%swap3A_312, %swap3A_313], %mul3A_311 {strides = array<i32>} : memref<400x48xf32, #tpu.memory_space<vmem>>, vector<16xf32>,
        %mul3A_315 = arith.constant 16 : i32
        %mul3A_316 = arith.muli %scan3A_76, %mul3A_315 : i32
        %add3A_317 = arith.constant 7 : i32
        %add3A_318 = arith.addi %mul3A_316, %add3A_317 : i32
        %slice3A_319 = vector.extract_strided_slice %get3A_79 {offsets = [7], sizes = [1], strides = [1]} : vector<16xf32> to vector<1xf32>
        %squeeze3A_320 = vector.extract %slice3A_319[0] : f32 from vector<1xf32>
        %get3A_321 = arith.index_cast %add3A_318 : i32 to index
        %get3A_322 = arith.constant 0 : index
        %get3A_323 = tpu.vector_load %arg19[%get3A_321, %get3A_322] {strides = array<i32>} : memref<400x32xf32, #tpu.memory_space<vmem>>, vector<16xf32>,
        %mul3A_324 = vector.broadcast %squeeze3A_320 : f32 to vector<16xf32>
        %mul3A_325 = arith.mulf %mul3A_324, %get3A_323 : vector<16xf32>
        %swap3A_326 = arith.index_cast %add3A_318 : i32 to index
        %swap3A_327 = arith.constant 0 : index
        %swap3A_328 = tpu.vector_load %arg21[%swap3A_326, %swap3A_327] {strides = array<i32>} : memref<400x48xf32, #tpu.memory_space<vmem>>, vector<16xf32>,
        tpu.vector_store %arg21[%swap3A_326, %swap3A_327], %mul3A_325 {strides = array<i32>} : memref<400x48xf32, #tpu.memory_space<vmem>>, vector<16xf32>,
        %get3A_329 = arith.index_cast %add3A_318 : i32 to index
        %get3A_330 = arith.constant 16 : index
        %get3A_331 = tpu.vector_load %arg19[%get3A_329, %get3A_330] {strides = array<i32>} : memref<400x32xf32, #tpu.memory_space<vmem>>, vector<16xf32>,
        %mul3A_332 = vector.broadcast %squeeze3A_320 : f32 to vector<16xf32>
        %mul3A_333 = arith.mulf %mul3A_332, %get3A_331 : vector<16xf32>
        %swap3A_334 = arith.index_cast %add3A_318 : i32 to index
        %swap3A_335 = arith.constant 16 : index
        %swap3A_336 = tpu.vector_load %arg21[%swap3A_334, %swap3A_335] {strides = array<i32>} : memref<400x48xf32, #tpu.memory_space<vmem>>, vector<16xf32>,
        tpu.vector_store %arg21[%swap3A_334, %swap3A_335], %mul3A_333 {strides = array<i32>} : memref<400x48xf32, #tpu.memory_space<vmem>>, vector<16xf32>,
        %mul3A_337 = arith.constant 2 : i32
        %mul3A_338 = arith.muli %mul3A_337, %scan3A_76 : i32
        %add3A_339 = arith.constant 0 : i32
        %add3A_340 = arith.addi %mul3A_338, %add3A_339 : i32
        %get3A_341 = arith.index_cast %add3A_340 : i32 to index
        %get3A_342 = arith.constant 112 : index
        %get3A_343 = tpu.vector_load %arg20[%get3A_341, %get3A_342] {strides = array<i32>} : memref<50x128xf32, #tpu.memory_space<vmem>>, vector<16xf32>,
        %mul3A_344 = vector.broadcast %squeeze3A_320 : f32 to vector<16xf32>
        %mul3A_345 = arith.mulf %mul3A_344, %get3A_343 : vector<16xf32>
        %swap3A_346 = arith.index_cast %add3A_318 : i32 to index
        %swap3A_347 = arith.constant 32 : index
        %swap3A_348 = tpu.vector_load %arg21[%swap3A_346, %swap3A_347] {strides = array<i32>} : memref<400x48xf32, #tpu.memory_space<vmem>>, vector<16xf32>,
        tpu.vector_store %arg21[%swap3A_346, %swap3A_347], %mul3A_345 {strides = array<i32>} : memref<400x48xf32, #tpu.memory_space<vmem>>, vector<16xf32>,
        %mul3A_349 = arith.constant 16 : i32
        %mul3A_350 = arith.muli %scan3A_76, %mul3A_349 : i32
        %add3A_351 = arith.constant 8 : i32
        %add3A_352 = arith.addi %mul3A_350, %add3A_351 : i32
        %slice3A_353 = vector.extract_strided_slice %get3A_79 {offsets = [8], sizes = [1], strides = [1]} : vector<16xf32> to vector<1xf32>
        %squeeze3A_354 = vector.extract %slice3A_353[0] : f32 from vector<1xf32>
        %get3A_355 = arith.index_cast %add3A_352 : i32 to index
        %get3A_356 = arith.constant 0 : index
        %get3A_357 = tpu.vector_load %arg19[%get3A_355, %get3A_356] {strides = array<i32>} : memref<400x32xf32, #tpu.memory_space<vmem>>, vector<16xf32>,
        %mul3A_358 = vector.broadcast %squeeze3A_354 : f32 to vector<16xf32>
        %mul3A_359 = arith.mulf %mul3A_358, %get3A_357 : vector<16xf32>
        %swap3A_360 = arith.index_cast %add3A_352 : i32 to index
        %swap3A_361 = arith.constant 0 : index
        %swap3A_362 = tpu.vector_load %arg21[%swap3A_360, %swap3A_361] {strides = array<i32>} : memref<400x48xf32, #tpu.memory_space<vmem>>, vector<16xf32>,
        tpu.vector_store %arg21[%swap3A_360, %swap3A_361], %mul3A_359 {strides = array<i32>} : memref<400x48xf32, #tpu.memory_space<vmem>>, vector<16xf32>,
        %get3A_363 = arith.index_cast %add3A_352 : i32 to index
        %get3A_364 = arith.constant 16 : index
        %get3A_365 = tpu.vector_load %arg19[%get3A_363, %get3A_364] {strides = array<i32>} : memref<400x32xf32, #tpu.memory_space<vmem>>, vector<16xf32>,
        %mul3A_366 = vector.broadcast %squeeze3A_354 : f32 to vector<16xf32>
        %mul3A_367 = arith.mulf %mul3A_366, %get3A_365 : vector<16xf32>
        %swap3A_368 = arith.index_cast %add3A_352 : i32 to index
        %swap3A_369 = arith.constant 16 : index
        %swap3A_370 = tpu.vector_load %arg21[%swap3A_368, %swap3A_369] {strides = array<i32>} : memref<400x48xf32, #tpu.memory_space<vmem>>, vector<16xf32>,
        tpu.vector_store %arg21[%swap3A_368, %swap3A_369], %mul3A_367 {strides = array<i32>} : memref<400x48xf32, #tpu.memory_space<vmem>>, vector<16xf32>,
        %mul3A_371 = arith.constant 2 : i32
        %mul3A_372 = arith.muli %mul3A_371, %scan3A_76 : i32
        %add3A_373 = arith.constant 1 : i32
        %add3A_374 = arith.addi %mul3A_372, %add3A_373 : i32
        %get3A_375 = arith.index_cast %add3A_374 : i32 to index
        %get3A_376 = arith.constant 0 : index
        %get3A_377 = tpu.vector_load %arg20[%get3A_375, %get3A_376] {strides = array<i32>} : memref<50x128xf32, #tpu.memory_space<vmem>>, vector<16xf32>,
        %mul3A_378 = vector.broadcast %squeeze3A_354 : f32 to vector<16xf32>
        %mul3A_379 = arith.mulf %mul3A_378, %get3A_377 : vector<16xf32>
        %swap3A_380 = arith.index_cast %add3A_352 : i32 to index
        %swap3A_381 = arith.constant 32 : index
        %swap3A_382 = tpu.vector_load %arg21[%swap3A_380, %swap3A_381] {strides = array<i32>} : memref<400x48xf32, #tpu.memory_space<vmem>>, vector<16xf32>,
        tpu.vector_store %arg21[%swap3A_380, %swap3A_381], %mul3A_379 {strides = array<i32>} : memref<400x48xf32, #tpu.memory_space<vmem>>, vector<16xf32>,
        %mul3A_383 = arith.constant 16 : i32
        %mul3A_384 = arith.muli %scan3A_76, %mul3A_383 : i32
        %add3A_385 = arith.constant 9 : i32
        %add3A_386 = arith.addi %mul3A_384, %add3A_385 : i32
        %slice3A_387 = vector.extract_strided_slice %get3A_79 {offsets = [9], sizes = [1], strides = [1]} : vector<16xf32> to vector<1xf32>
        %squeeze3A_388 = vector.extract %slice3A_387[0] : f32 from vector<1xf32>
        %get3A_389 = arith.index_cast %add3A_386 : i32 to index
        %get3A_390 = arith.constant 0 : index
        %get3A_391 = tpu.vector_load %arg19[%get3A_389, %get3A_390] {strides = array<i32>} : memref<400x32xf32, #tpu.memory_space<vmem>>, vector<16xf32>,
        %mul3A_392 = vector.broadcast %squeeze3A_388 : f32 to vector<16xf32>
        %mul3A_393 = arith.mulf %mul3A_392, %get3A_391 : vector<16xf32>
        %swap3A_394 = arith.index_cast %add3A_386 : i32 to index
        %swap3A_395 = arith.constant 0 : index
        %swap3A_396 = tpu.vector_load %arg21[%swap3A_394, %swap3A_395] {strides = array<i32>} : memref<400x48xf32, #tpu.memory_space<vmem>>, vector<16xf32>,
        tpu.vector_store %arg21[%swap3A_394, %swap3A_395], %mul3A_393 {strides = array<i32>} : memref<400x48xf32, #tpu.memory_space<vmem>>, vector<16xf32>,
        %get3A_397 = arith.index_cast %add3A_386 : i32 to index
        %get3A_398 = arith.constant 16 : index
        %get3A_399 = tpu.vector_load %arg19[%get3A_397, %get3A_398] {strides = array<i32>} : memref<400x32xf32, #tpu.memory_space<vmem>>, vector<16xf32>,
        %mul3A_400 = vector.broadcast %squeeze3A_388 : f32 to vector<16xf32>
        %mul3A_401 = arith.mulf %mul3A_400, %get3A_399 : vector<16xf32>
        %swap3A_402 = arith.index_cast %add3A_386 : i32 to index
        %swap3A_403 = arith.constant 16 : index
        %swap3A_404 = tpu.vector_load %arg21[%swap3A_402, %swap3A_403] {strides = array<i32>} : memref<400x48xf32, #tpu.memory_space<vmem>>, vector<16xf32>,
        tpu.vector_store %arg21[%swap3A_402, %swap3A_403], %mul3A_401 {strides = array<i32>} : memref<400x48xf32, #tpu.memory_space<vmem>>, vector<16xf32>,
        %mul3A_405 = arith.constant 2 : i32
        %mul3A_406 = arith.muli %mul3A_405, %scan3A_76 : i32
        %add3A_407 = arith.constant 1 : i32
        %add3A_408 = arith.addi %mul3A_406, %add3A_407 : i32
        %get3A_409 = arith.index_cast %add3A_408 : i32 to index
        %get3A_410 = arith.constant 16 : index
        %get3A_411 = tpu.vector_load %arg20[%get3A_409, %get3A_410] {strides = array<i32>} : memref<50x128xf32, #tpu.memory_space<vmem>>, vector<16xf32>,
        %mul3A_412 = vector.broadcast %squeeze3A_388 : f32 to vector<16xf32>
        %mul3A_413 = arith.mulf %mul3A_412, %get3A_411 : vector<16xf32>
        %swap3A_414 = arith.index_cast %add3A_386 : i32 to index
        %swap3A_415 = arith.constant 32 : index
        %swap3A_416 = tpu.vector_load %arg21[%swap3A_414, %swap3A_415] {strides = array<i32>} : memref<400x48xf32, #tpu.memory_space<vmem>>, vector<16xf32>,
        tpu.vector_store %arg21[%swap3A_414, %swap3A_415], %mul3A_413 {strides = array<i32>} : memref<400x48xf32, #tpu.memory_space<vmem>>, vector<16xf32>,
        %mul3A_417 = arith.constant 16 : i32
        %mul3A_418 = arith.muli %scan3A_76, %mul3A_417 : i32
        %add3A_419 = arith.constant 10 : i32
        %add3A_420 = arith.addi %mul3A_418, %add3A_419 : i32
        %slice3A_421 = vector.extract_strided_slice %get3A_79 {offsets = [10], sizes = [1], strides = [1]} : vector<16xf32> to vector<1xf32>
        %squeeze3A_422 = vector.extract %slice3A_421[0] : f32 from vector<1xf32>
        %get3A_423 = arith.index_cast %add3A_420 : i32 to index
        %get3A_424 = arith.constant 0 : index
        %get3A_425 = tpu.vector_load %arg19[%get3A_423, %get3A_424] {strides = array<i32>} : memref<400x32xf32, #tpu.memory_space<vmem>>, vector<16xf32>,
        %mul3A_426 = vector.broadcast %squeeze3A_422 : f32 to vector<16xf32>
        %mul3A_427 = arith.mulf %mul3A_426, %get3A_425 : vector<16xf32>
        %swap3A_428 = arith.index_cast %add3A_420 : i32 to index
        %swap3A_429 = arith.constant 0 : index
        %swap3A_430 = tpu.vector_load %arg21[%swap3A_428, %swap3A_429] {strides = array<i32>} : memref<400x48xf32, #tpu.memory_space<vmem>>, vector<16xf32>,
        tpu.vector_store %arg21[%swap3A_428, %swap3A_429], %mul3A_427 {strides = array<i32>} : memref<400x48xf32, #tpu.memory_space<vmem>>, vector<16xf32>,
        %get3A_431 = arith.index_cast %add3A_420 : i32 to index
        %get3A_432 = arith.constant 16 : index
        %get3A_433 = tpu.vector_load %arg19[%get3A_431, %get3A_432] {strides = array<i32>} : memref<400x32xf32, #tpu.memory_space<vmem>>, vector<16xf32>,
        %mul3A_434 = vector.broadcast %squeeze3A_422 : f32 to vector<16xf32>
        %mul3A_435 = arith.mulf %mul3A_434, %get3A_433 : vector<16xf32>
        %swap3A_436 = arith.index_cast %add3A_420 : i32 to index
        %swap3A_437 = arith.constant 16 : index
        %swap3A_438 = tpu.vector_load %arg21[%swap3A_436, %swap3A_437] {strides = array<i32>} : memref<400x48xf32, #tpu.memory_space<vmem>>, vector<16xf32>,
        tpu.vector_store %arg21[%swap3A_436, %swap3A_437], %mul3A_435 {strides = array<i32>} : memref<400x48xf32, #tpu.memory_space<vmem>>, vector<16xf32>,
        %mul3A_439 = arith.constant 2 : i32
        %mul3A_440 = arith.muli %mul3A_439, %scan3A_76 : i32
        %add3A_441 = arith.constant 1 : i32
        %add3A_442 = arith.addi %mul3A_440, %add3A_441 : i32
        %get3A_443 = arith.index_cast %add3A_442 : i32 to index
        %get3A_444 = arith.constant 32 : index
        %get3A_445 = tpu.vector_load %arg20[%get3A_443, %get3A_444] {strides = array<i32>} : memref<50x128xf32, #tpu.memory_space<vmem>>, vector<16xf32>,
        %mul3A_446 = vector.broadcast %squeeze3A_422 : f32 to vector<16xf32>
        %mul3A_447 = arith.mulf %mul3A_446, %get3A_445 : vector<16xf32>
        %swap3A_448 = arith.index_cast %add3A_420 : i32 to index
        %swap3A_449 = arith.constant 32 : index
        %swap3A_450 = tpu.vector_load %arg21[%swap3A_448, %swap3A_449] {strides = array<i32>} : memref<400x48xf32, #tpu.memory_space<vmem>>, vector<16xf32>,
        tpu.vector_store %arg21[%swap3A_448, %swap3A_449], %mul3A_447 {strides = array<i32>} : memref<400x48xf32, #tpu.memory_space<vmem>>, vector<16xf32>,
        %mul3A_451 = arith.constant 16 : i32
        %mul3A_452 = arith.muli %scan3A_76, %mul3A_451 : i32
        %add3A_453 = arith.constant 11 : i32
        %add3A_454 = arith.addi %mul3A_452, %add3A_453 : i32
        %slice3A_455 = vector.extract_strided_slice %get3A_79 {offsets = [11], sizes = [1], strides = [1]} : vector<16xf32> to vector<1xf32>
        %squeeze3A_456 = vector.extract %slice3A_455[0] : f32 from vector<1xf32>
        %get3A_457 = arith.index_cast %add3A_454 : i32 to index
        %get3A_458 = arith.constant 0 : index
        %get3A_459 = tpu.vector_load %arg19[%get3A_457, %get3A_458] {strides = array<i32>} : memref<400x32xf32, #tpu.memory_space<vmem>>, vector<16xf32>,
        %mul3A_460 = vector.broadcast %squeeze3A_456 : f32 to vector<16xf32>
        %mul3A_461 = arith.mulf %mul3A_460, %get3A_459 : vector<16xf32>
        %swap3A_462 = arith.index_cast %add3A_454 : i32 to index
        %swap3A_463 = arith.constant 0 : index
        %swap3A_464 = tpu.vector_load %arg21[%swap3A_462, %swap3A_463] {strides = array<i32>} : memref<400x48xf32, #tpu.memory_space<vmem>>, vector<16xf32>,
        tpu.vector_store %arg21[%swap3A_462, %swap3A_463], %mul3A_461 {strides = array<i32>} : memref<400x48xf32, #tpu.memory_space<vmem>>, vector<16xf32>,
        %get3A_465 = arith.index_cast %add3A_454 : i32 to index
        %get3A_466 = arith.constant 16 : index
        %get3A_467 = tpu.vector_load %arg19[%get3A_465, %get3A_466] {strides = array<i32>} : memref<400x32xf32, #tpu.memory_space<vmem>>, vector<16xf32>,
        %mul3A_468 = vector.broadcast %squeeze3A_456 : f32 to vector<16xf32>
        %mul3A_469 = arith.mulf %mul3A_468, %get3A_467 : vector<16xf32>
        %swap3A_470 = arith.index_cast %add3A_454 : i32 to index
        %swap3A_471 = arith.constant 16 : index
        %swap3A_472 = tpu.vector_load %arg21[%swap3A_470, %swap3A_471] {strides = array<i32>} : memref<400x48xf32, #tpu.memory_space<vmem>>, vector<16xf32>,
        tpu.vector_store %arg21[%swap3A_470, %swap3A_471], %mul3A_469 {strides = array<i32>} : memref<400x48xf32, #tpu.memory_space<vmem>>, vector<16xf32>,
        %mul3A_473 = arith.constant 2 : i32
        %mul3A_474 = arith.muli %mul3A_473, %scan3A_76 : i32
        %add3A_475 = arith.constant 1 : i32
        %add3A_476 = arith.addi %mul3A_474, %add3A_475 : i32
        %get3A_477 = arith.index_cast %add3A_476 : i32 to index
        %get3A_478 = arith.constant 48 : index
        %get3A_479 = tpu.vector_load %arg20[%get3A_477, %get3A_478] {strides = array<i32>} : memref<50x128xf32, #tpu.memory_space<vmem>>, vector<16xf32>,
        %mul3A_480 = vector.broadcast %squeeze3A_456 : f32 to vector<16xf32>
        %mul3A_481 = arith.mulf %mul3A_480, %get3A_479 : vector<16xf32>
        %swap3A_482 = arith.index_cast %add3A_454 : i32 to index
        %swap3A_483 = arith.constant 32 : index
        %swap3A_484 = tpu.vector_load %arg21[%swap3A_482, %swap3A_483] {strides = array<i32>} : memref<400x48xf32, #tpu.memory_space<vmem>>, vector<16xf32>,
        tpu.vector_store %arg21[%swap3A_482, %swap3A_483], %mul3A_481 {strides = array<i32>} : memref<400x48xf32, #tpu.memory_space<vmem>>, vector<16xf32>,
        %mul3A_485 = arith.constant 16 : i32
        %mul3A_486 = arith.muli %scan3A_76, %mul3A_485 : i32
        %add3A_487 = arith.constant 12 : i32
        %add3A_488 = arith.addi %mul3A_486, %add3A_487 : i32
        %slice3A_489 = vector.extract_strided_slice %get3A_79 {offsets = [12], sizes = [1], strides = [1]} : vector<16xf32> to vector<1xf32>
        %squeeze3A_490 = vector.extract %slice3A_489[0] : f32 from vector<1xf32>
        %get3A_491 = arith.index_cast %add3A_488 : i32 to index
        %get3A_492 = arith.constant 0 : index
        %get3A_493 = tpu.vector_load %arg19[%get3A_491, %get3A_492] {strides = array<i32>} : memref<400x32xf32, #tpu.memory_space<vmem>>, vector<16xf32>,
        %mul3A_494 = vector.broadcast %squeeze3A_490 : f32 to vector<16xf32>
        %mul3A_495 = arith.mulf %mul3A_494, %get3A_493 : vector<16xf32>
        %swap3A_496 = arith.index_cast %add3A_488 : i32 to index
        %swap3A_497 = arith.constant 0 : index
        %swap3A_498 = tpu.vector_load %arg21[%swap3A_496, %swap3A_497] {strides = array<i32>} : memref<400x48xf32, #tpu.memory_space<vmem>>, vector<16xf32>,
        tpu.vector_store %arg21[%swap3A_496, %swap3A_497], %mul3A_495 {strides = array<i32>} : memref<400x48xf32, #tpu.memory_space<vmem>>, vector<16xf32>,
        %get3A_499 = arith.index_cast %add3A_488 : i32 to index
        %get3A_500 = arith.constant 16 : index
        %get3A_501 = tpu.vector_load %arg19[%get3A_499, %get3A_500] {strides = array<i32>} : memref<400x32xf32, #tpu.memory_space<vmem>>, vector<16xf32>,
        %mul3A_502 = vector.broadcast %squeeze3A_490 : f32 to vector<16xf32>
        %mul3A_503 = arith.mulf %mul3A_502, %get3A_501 : vector<16xf32>
        %swap3A_504 = arith.index_cast %add3A_488 : i32 to index
        %swap3A_505 = arith.constant 16 : index
        %swap3A_506 = tpu.vector_load %arg21[%swap3A_504, %swap3A_505] {strides = array<i32>} : memref<400x48xf32, #tpu.memory_space<vmem>>, vector<16xf32>,
        tpu.vector_store %arg21[%swap3A_504, %swap3A_505], %mul3A_503 {strides = array<i32>} : memref<400x48xf32, #tpu.memory_space<vmem>>, vector<16xf32>,
        %mul3A_507 = arith.constant 2 : i32
        %mul3A_508 = arith.muli %mul3A_507, %scan3A_76 : i32
        %add3A_509 = arith.constant 1 : i32
        %add3A_510 = arith.addi %mul3A_508, %add3A_509 : i32
        %get3A_511 = arith.index_cast %add3A_510 : i32 to index
        %get3A_512 = arith.constant 64 : index
        %get3A_513 = tpu.vector_load %arg20[%get3A_511, %get3A_512] {strides = array<i32>} : memref<50x128xf32, #tpu.memory_space<vmem>>, vector<16xf32>,
        %mul3A_514 = vector.broadcast %squeeze3A_490 : f32 to vector<16xf32>
        %mul3A_515 = arith.mulf %mul3A_514, %get3A_513 : vector<16xf32>
        %swap3A_516 = arith.index_cast %add3A_488 : i32 to index
        %swap3A_517 = arith.constant 32 : index
        %swap3A_518 = tpu.vector_load %arg21[%swap3A_516, %swap3A_517] {strides = array<i32>} : memref<400x48xf32, #tpu.memory_space<vmem>>, vector<16xf32>,
        tpu.vector_store %arg21[%swap3A_516, %swap3A_517], %mul3A_515 {strides = array<i32>} : memref<400x48xf32, #tpu.memory_space<vmem>>, vector<16xf32>,
        %mul3A_519 = arith.constant 16 : i32
        %mul3A_520 = arith.muli %scan3A_76, %mul3A_519 : i32
        %add3A_521 = arith.constant 13 : i32
        %add3A_522 = arith.addi %mul3A_520, %add3A_521 : i32
        %slice3A_523 = vector.extract_strided_slice %get3A_79 {offsets = [13], sizes = [1], strides = [1]} : vector<16xf32> to vector<1xf32>
        %squeeze3A_524 = vector.extract %slice3A_523[0] : f32 from vector<1xf32>
        %get3A_525 = arith.index_cast %add3A_522 : i32 to index
        %get3A_526 = arith.constant 0 : index
        %get3A_527 = tpu.vector_load %arg19[%get3A_525, %get3A_526] {strides = array<i32>} : memref<400x32xf32, #tpu.memory_space<vmem>>, vector<16xf32>,
        %mul3A_528 = vector.broadcast %squeeze3A_524 : f32 to vector<16xf32>
        %mul3A_529 = arith.mulf %mul3A_528, %get3A_527 : vector<16xf32>
        %swap3A_530 = arith.index_cast %add3A_522 : i32 to index
        %swap3A_531 = arith.constant 0 : index
        %swap3A_532 = tpu.vector_load %arg21[%swap3A_530, %swap3A_531] {strides = array<i32>} : memref<400x48xf32, #tpu.memory_space<vmem>>, vector<16xf32>,
        tpu.vector_store %arg21[%swap3A_530, %swap3A_531], %mul3A_529 {strides = array<i32>} : memref<400x48xf32, #tpu.memory_space<vmem>>, vector<16xf32>,
        %get3A_533 = arith.index_cast %add3A_522 : i32 to index
        %get3A_534 = arith.constant 16 : index
        %get3A_535 = tpu.vector_load %arg19[%get3A_533, %get3A_534] {strides = array<i32>} : memref<400x32xf32, #tpu.memory_space<vmem>>, vector<16xf32>,
        %mul3A_536 = vector.broadcast %squeeze3A_524 : f32 to vector<16xf32>
        %mul3A_537 = arith.mulf %mul3A_536, %get3A_535 : vector<16xf32>
        %swap3A_538 = arith.index_cast %add3A_522 : i32 to index
        %swap3A_539 = arith.constant 16 : index
        %swap3A_540 = tpu.vector_load %arg21[%swap3A_538, %swap3A_539] {strides = array<i32>} : memref<400x48xf32, #tpu.memory_space<vmem>>, vector<16xf32>,
        tpu.vector_store %arg21[%swap3A_538, %swap3A_539], %mul3A_537 {strides = array<i32>} : memref<400x48xf32, #tpu.memory_space<vmem>>, vector<16xf32>,
        %mul3A_541 = arith.constant 2 : i32
        %mul3A_542 = arith.muli %mul3A_541, %scan3A_76 : i32
        %add3A_543 = arith.constant 1 : i32
        %add3A_544 = arith.addi %mul3A_542, %add3A_543 : i32
        %get3A_545 = arith.index_cast %add3A_544 : i32 to index
        %get3A_546 = arith.constant 80 : index
        %get3A_547 = tpu.vector_load %arg20[%get3A_545, %get3A_546] {strides = array<i32>} : memref<50x128xf32, #tpu.memory_space<vmem>>, vector<16xf32>,
        %mul3A_548 = vector.broadcast %squeeze3A_524 : f32 to vector<16xf32>
        %mul3A_549 = arith.mulf %mul3A_548, %get3A_547 : vector<16xf32>
        %swap3A_550 = arith.index_cast %add3A_522 : i32 to index
        %swap3A_551 = arith.constant 32 : index
        %swap3A_552 = tpu.vector_load %arg21[%swap3A_550, %swap3A_551] {strides = array<i32>} : memref<400x48xf32, #tpu.memory_space<vmem>>, vector<16xf32>,
        tpu.vector_store %arg21[%swap3A_550, %swap3A_551], %mul3A_549 {strides = array<i32>} : memref<400x48xf32, #tpu.memory_space<vmem>>, vector<16xf32>,
        %mul3A_553 = arith.constant 16 : i32
        %mul3A_554 = arith.muli %scan3A_76, %mul3A_553 : i32
        %add3A_555 = arith.constant 14 : i32
        %add3A_556 = arith.addi %mul3A_554, %add3A_555 : i32
        %slice3A_557 = vector.extract_strided_slice %get3A_79 {offsets = [14], sizes = [1], strides = [1]} : vector<16xf32> to vector<1xf32>
        %squeeze3A_558 = vector.extract %slice3A_557[0] : f32 from vector<1xf32>
        %get3A_559 = arith.index_cast %add3A_556 : i32 to index
        %get3A_560 = arith.constant 0 : index
        %get3A_561 = tpu.vector_load %arg19[%get3A_559, %get3A_560] {strides = array<i32>} : memref<400x32xf32, #tpu.memory_space<vmem>>, vector<16xf32>,
        %mul3A_562 = vector.broadcast %squeeze3A_558 : f32 to vector<16xf32>
        %mul3A_563 = arith.mulf %mul3A_562, %get3A_561 : vector<16xf32>
        %swap3A_564 = arith.index_cast %add3A_556 : i32 to index
        %swap3A_565 = arith.constant 0 : index
        %swap3A_566 = tpu.vector_load %arg21[%swap3A_564, %swap3A_565] {strides = array<i32>} : memref<400x48xf32, #tpu.memory_space<vmem>>, vector<16xf32>,
        tpu.vector_store %arg21[%swap3A_564, %swap3A_565], %mul3A_563 {strides = array<i32>} : memref<400x48xf32, #tpu.memory_space<vmem>>, vector<16xf32>,
        %get3A_567 = arith.index_cast %add3A_556 : i32 to index
        %get3A_568 = arith.constant 16 : index
        %get3A_569 = tpu.vector_load %arg19[%get3A_567, %get3A_568] {strides = array<i32>} : memref<400x32xf32, #tpu.memory_space<vmem>>, vector<16xf32>,
        %mul3A_570 = vector.broadcast %squeeze3A_558 : f32 to vector<16xf32>
        %mul3A_571 = arith.mulf %mul3A_570, %get3A_569 : vector<16xf32>
        %swap3A_572 = arith.index_cast %add3A_556 : i32 to index
        %swap3A_573 = arith.constant 16 : index
        %swap3A_574 = tpu.vector_load %arg21[%swap3A_572, %swap3A_573] {strides = array<i32>} : memref<400x48xf32, #tpu.memory_space<vmem>>, vector<16xf32>,
        tpu.vector_store %arg21[%swap3A_572, %swap3A_573], %mul3A_571 {strides = array<i32>} : memref<400x48xf32, #tpu.memory_space<vmem>>, vector<16xf32>,
        %mul3A_575 = arith.constant 2 : i32
        %mul3A_576 = arith.muli %mul3A_575, %scan3A_76 : i32
        %add3A_577 = arith.constant 1 : i32
        %add3A_578 = arith.addi %mul3A_576, %add3A_577 : i32
        %get3A_579 = arith.index_cast %add3A_578 : i32 to index
        %get3A_580 = arith.constant 96 : index
        %get3A_581 = tpu.vector_load %arg20[%get3A_579, %get3A_580] {strides = array<i32>} : memref<50x128xf32, #tpu.memory_space<vmem>>, vector<16xf32>,
        %mul3A_582 = vector.broadcast %squeeze3A_558 : f32 to vector<16xf32>
        %mul3A_583 = arith.mulf %mul3A_582, %get3A_581 : vector<16xf32>
        %swap3A_584 = arith.index_cast %add3A_556 : i32 to index
        %swap3A_585 = arith.constant 32 : index
        %swap3A_586 = tpu.vector_load %arg21[%swap3A_584, %swap3A_585] {strides = array<i32>} : memref<400x48xf32, #tpu.memory_space<vmem>>, vector<16xf32>,
        tpu.vector_store %arg21[%swap3A_584, %swap3A_585], %mul3A_583 {strides = array<i32>} : memref<400x48xf32, #tpu.memory_space<vmem>>, vector<16xf32>,
        %mul3A_587 = arith.constant 16 : i32
        %mul3A_588 = arith.muli %scan3A_76, %mul3A_587 : i32
        %add3A_589 = arith.constant 15 : i32
        %add3A_590 = arith.addi %mul3A_588, %add3A_589 : i32
        %slice3A_591 = vector.extract_strided_slice %get3A_79 {offsets = [15], sizes = [1], strides = [1]} : vector<16xf32> to vector<1xf32>
        %squeeze3A_592 = vector.extract %slice3A_591[0] : f32 from vector<1xf32>
        %get3A_593 = arith.index_cast %add3A_590 : i32 to index
        %get3A_594 = arith.constant 0 : index
        %get3A_595 = tpu.vector_load %arg19[%get3A_593, %get3A_594] {strides = array<i32>} : memref<400x32xf32, #tpu.memory_space<vmem>>, vector<16xf32>,
        %mul3A_596 = vector.broadcast %squeeze3A_592 : f32 to vector<16xf32>
        %mul3A_597 = arith.mulf %mul3A_596, %get3A_595 : vector<16xf32>
        %swap3A_598 = arith.index_cast %add3A_590 : i32 to index
        %swap3A_599 = arith.constant 0 : index
        %swap3A_600 = tpu.vector_load %arg21[%swap3A_598, %swap3A_599] {strides = array<i32>} : memref<400x48xf32, #tpu.memory_space<vmem>>, vector<16xf32>,
        tpu.vector_store %arg21[%swap3A_598, %swap3A_599], %mul3A_597 {strides = array<i32>} : memref<400x48xf32, #tpu.memory_space<vmem>>, vector<16xf32>,
        %get3A_601 = arith.index_cast %add3A_590 : i32 to index
        %get3A_602 = arith.constant 16 : index
        %get3A_603 = tpu.vector_load %arg19[%get3A_601, %get3A_602] {strides = array<i32>} : memref<400x32xf32, #tpu.memory_space<vmem>>, vector<16xf32>,
        %mul3A_604 = vector.broadcast %squeeze3A_592 : f32 to vector<16xf32>
        %mul3A_605 = arith.mulf %mul3A_604, %get3A_603 : vector<16xf32>
        %swap3A_606 = arith.index_cast %add3A_590 : i32 to index
        %swap3A_607 = arith.constant 16 : index
        %swap3A_608 = tpu.vector_load %arg21[%swap3A_606, %swap3A_607] {strides = array<i32>} : memref<400x48xf32, #tpu.memory_space<vmem>>, vector<16xf32>,
        tpu.vector_store %arg21[%swap3A_606, %swap3A_607], %mul3A_605 {strides = array<i32>} : memref<400x48xf32, #tpu.memory_space<vmem>>, vector<16xf32>,
        %mul3A_609 = arith.constant 2 : i32
        %mul3A_610 = arith.muli %mul3A_609, %scan3A_76 : i32
        %add3A_611 = arith.constant 1 : i32
        %add3A_612 = arith.addi %mul3A_610, %add3A_611 : i32
        %get3A_613 = arith.index_cast %add3A_612 : i32 to index
        %get3A_614 = arith.constant 112 : index
        %get3A_615 = tpu.vector_load %arg20[%get3A_613, %get3A_614] {strides = array<i32>} : memref<50x128xf32, #tpu.memory_space<vmem>>, vector<16xf32>,
        %mul3A_616 = vector.broadcast %squeeze3A_592 : f32 to vector<16xf32>
        %mul3A_617 = arith.mulf %mul3A_616, %get3A_615 : vector<16xf32>
        %swap3A_618 = arith.index_cast %add3A_590 : i32 to index
        %swap3A_619 = arith.constant 32 : index
        %swap3A_620 = tpu.vector_load %arg21[%swap3A_618, %swap3A_619] {strides = array<i32>} : memref<400x48xf32, #tpu.memory_space<vmem>>, vector<16xf32>,
        tpu.vector_store %arg21[%swap3A_618, %swap3A_619], %mul3A_617 {strides = array<i32>} : memref<400x48xf32, #tpu.memory_space<vmem>>, vector<16xf32>,
      }
      %scan3A_75 = arith.constant 25 : i32
      "tpu.region"() ({
        %run_scoped3A = tpu.sem_alloc : memref<!tpu.dma_semaphore, #tpu.memory_space<semaphore_mem>>
        %dma_start3A_76 = arith.constant 0 : i32
        %dma_start3A_77 = arith.constant 0 : i32
        %dma_start3A_78 = tpu.memref_slice %arg11[%dma_start3A_76, %dma_start3A_77] : memref<10000x48xf32, #tpu.memory_space<vmem_shared>> -> memref<10000x48xf32, #tpu.memory_space<vmem_shared>>
        tpu.enqueue_indirect_dma source(%arg21 : memref<400x48xf32, #tpu.memory_space<vmem>>) target(%dma_start3A_78 : memref<10000x48xf32, #tpu.memory_space<vmem_shared>>) offsets(%arg16 : memref<400xi32, #tpu.memory_space<vmem>>) semaphore(%run_scoped3A : memref<!tpu.dma_semaphore, #tpu.memory_space<semaphore_mem>>) {add = true}
        %dma_wait3A_79 = arith.constant 0 : i32
        %dma_wait3A_80 = arith.constant 0 : i32
        %dma_wait3A_81 = tpu.memref_slice %arg11[%dma_wait3A_79, %dma_wait3A_80] : memref<10000x48xf32, #tpu.memory_space<vmem_shared>> -> memref<10000x48xf32, #tpu.memory_space<vmem_shared>>
        tpu.wait_indirect_dma semaphore(%run_scoped3A : memref<!tpu.dma_semaphore, #tpu.memory_space<semaphore_mem>>) src(%arg21 : memref<400x48xf32, #tpu.memory_space<vmem>>) dst(%dma_wait3A_81 : memref<10000x48xf32, #tpu.memory_space<vmem_shared>>)
        tpu.yield
      }) : () -> ()
    }
    %scan3A_28 = arith.constant 25 : i32
    %barrier3A_29 = arith.constant 0 : index
    tpu.barrier barrier_id(%barrier3A_29)
    %lt3A_30 = arith.constant 15 : i32
    %lt3A_31 = arith.cmpi slt, %arg1, %lt3A_30 : i32
    %convert_element_type3A_32 = arith.extui %lt3A_31 : i1 to i32
    %cond3A_33 = arith.constant 0 : i32
    %cond3A_34 = arith.cmpi ne, %convert_element_type3A_32, %cond3A_33 : i32
    scf.if %cond3A_34 {
      %mul3A_40 = arith.constant 640 : i32
      %mul3A_41 = arith.muli %arg1, %mul3A_40 : i32
      %mul3A_42 = arith.constant 640 : i32
      %mul3A_43 = arith.muli %arg1, %mul3A_42 : i32
      "tpu.region"() ({
        %run_scoped3A = tpu.sem_alloc : memref<!tpu.dma_semaphore, #tpu.memory_space<semaphore_mem>>
        %dma_start3A = arith.constant 0 : i32
        %dma_start3A_48 = tpu.memref_slice %arg9[%arg0, %mul3A_43, %dma_start3A] : memref<2x10000x48xf32, #tpu.memory_space<hbm>> -> memref<1x640x48xf32, #tpu.memory_space<hbm>>
        %dma_start3A_49 = tpu.memref_squeeze %dma_start3A_48 : memref<1x640x48xf32, #tpu.memory_space<hbm>> -> memref<640x48xf32, #tpu.memory_space<hbm>>
        %dma_start3A_50 = arith.constant 0 : i32
        %dma_start3A_51 = tpu.memref_slice %arg11[%mul3A_41, %dma_start3A_50] : memref<10000x48xf32, #tpu.memory_space<vmem_shared>> -> memref<640x48xf32, #tpu.memory_space<vmem_shared>>
        tpu.enqueue_dma source(%dma_start3A_51 : memref<640x48xf32, #tpu.memory_space<vmem_shared>>) target(%dma_start3A_49 : memref<640x48xf32, #tpu.memory_space<hbm>>) target_semaphore(%run_scoped3A : memref<!tpu.dma_semaphore, #tpu.memory_space<semaphore_mem>>)
        %dma_wait3A = arith.constant 0 : i32
        %dma_wait3A_52 = tpu.memref_slice %arg9[%arg0, %mul3A_43, %dma_wait3A] : memref<2x10000x48xf32, #tpu.memory_space<hbm>> -> memref<1x640x48xf32, #tpu.memory_space<hbm>>
        %dma_wait3A_53 = tpu.memref_squeeze %dma_wait3A_52 : memref<1x640x48xf32, #tpu.memory_space<hbm>> -> memref<640x48xf32, #tpu.memory_space<hbm>>
        %dma_wait3A_54 = arith.constant 0 : i32
        %dma_wait3A_55 = tpu.memref_slice %arg11[%mul3A_41, %dma_wait3A_54] : memref<10000x48xf32, #tpu.memory_space<vmem_shared>> -> memref<640x48xf32, #tpu.memory_space<vmem_shared>>
        tpu.wait_dma2 semaphore(%run_scoped3A : memref<!tpu.dma_semaphore, #tpu.memory_space<semaphore_mem>>) src(%dma_wait3A_55 : memref<640x48xf32, #tpu.memory_space<vmem_shared>>) dst(%dma_wait3A_53 : memref<640x48xf32, #tpu.memory_space<hbm>>)
        tpu.yield
      }) : () -> ()
      %mul3A_44 = arith.constant 640 : i32
      %mul3A_45 = arith.muli %arg1, %mul3A_44 : i32
      %mul3A_46 = arith.constant 640 : i32
      %mul3A_47 = arith.muli %arg1, %mul3A_46 : i32
      "tpu.region"() ({
        %run_scoped3A = tpu.sem_alloc : memref<!tpu.dma_semaphore, #tpu.memory_space<semaphore_mem>>
        %dma_start3A = tpu.memref_slice %arg10[%arg0, %mul3A_47] : memref<2x10000xf32, #tpu.memory_space<hbm>> -> memref<1x640xf32, #tpu.memory_space<hbm>>
        %dma_start3A_48 = tpu.memref_squeeze %dma_start3A : memref<1x640xf32, #tpu.memory_space<hbm>> -> memref<640xf32, #tpu.memory_space<hbm>>
        %dma_start3A_49 = tpu.memref_slice %arg12[%mul3A_45] : memref<10240xf32, #tpu.memory_space<vmem_shared>> -> memref<640xf32, #tpu.memory_space<vmem_shared>>
        tpu.enqueue_dma source(%dma_start3A_49 : memref<640xf32, #tpu.memory_space<vmem_shared>>) target(%dma_start3A_48 : memref<640xf32, #tpu.memory_space<hbm>>) target_semaphore(%run_scoped3A : memref<!tpu.dma_semaphore, #tpu.memory_space<semaphore_mem>>)
        %dma_wait3A = tpu.memref_slice %arg10[%arg0, %mul3A_47] : memref<2x10000xf32, #tpu.memory_space<hbm>> -> memref<1x640xf32, #tpu.memory_space<hbm>>
        %dma_wait3A_50 = tpu.memref_squeeze %dma_wait3A : memref<1x640xf32, #tpu.memory_space<hbm>> -> memref<640xf32, #tpu.memory_space<hbm>>
        %dma_wait3A_51 = tpu.memref_slice %arg12[%mul3A_45] : memref<10240xf32, #tpu.memory_space<vmem_shared>> -> memref<640xf32, #tpu.memory_space<vmem_shared>>
        tpu.wait_dma2 semaphore(%run_scoped3A : memref<!tpu.dma_semaphore, #tpu.memory_space<semaphore_mem>>) src(%dma_wait3A_51 : memref<640xf32, #tpu.memory_space<vmem_shared>>) dst(%dma_wait3A_50 : memref<640xf32, #tpu.memory_space<hbm>>)
        tpu.yield
      }) : () -> ()
    } else {
    }
    %eq3A_35 = arith.constant 15 : i32
    %eq3A_36 = arith.cmpi eq, %arg1, %eq3A_35 : i32
    %convert_element_type3A_37 = arith.extui %eq3A_36 : i1 to i32
    %cond3A_38 = arith.constant 0 : i32
    %cond3A_39 = arith.cmpi ne, %convert_element_type3A_37, %cond3A_38 : i32
    scf.if %cond3A_39 {
      "tpu.region"() ({
        %run_scoped3A = tpu.sem_alloc : memref<!tpu.dma_semaphore, #tpu.memory_space<semaphore_mem>>
        %dma_start3A = arith.constant 9600 : i32
        %dma_start3A_40 = arith.constant 0 : i32
        %dma_start3A_41 = tpu.memref_slice %arg9[%arg0, %dma_start3A, %dma_start3A_40] : memref<2x10000x48xf32, #tpu.memory_space<hbm>> -> memref<1x400x48xf32, #tpu.memory_space<hbm>>
        %dma_start3A_42 = tpu.memref_squeeze %dma_start3A_41 : memref<1x400x48xf32, #tpu.memory_space<hbm>> -> memref<400x48xf32, #tpu.memory_space<hbm>>
        %dma_start3A_43 = arith.constant 9600 : i32
        %dma_start3A_44 = arith.constant 0 : i32
        %dma_start3A_45 = tpu.memref_slice %arg11[%dma_start3A_43, %dma_start3A_44] : memref<10000x48xf32, #tpu.memory_space<vmem_shared>> -> memref<400x48xf32, #tpu.memory_space<vmem_shared>>
        tpu.enqueue_dma source(%dma_start3A_45 : memref<400x48xf32, #tpu.memory_space<vmem_shared>>) target(%dma_start3A_42 : memref<400x48xf32, #tpu.memory_space<hbm>>) target_semaphore(%run_scoped3A : memref<!tpu.dma_semaphore, #tpu.memory_space<semaphore_mem>>)
        %dma_wait3A = arith.constant 9600 : i32
        %dma_wait3A_46 = arith.constant 0 : i32
        %dma_wait3A_47 = tpu.memref_slice %arg9[%arg0, %dma_wait3A, %dma_wait3A_46] : memref<2x10000x48xf32, #tpu.memory_space<hbm>> -> memref<1x400x48xf32, #tpu.memory_space<hbm>>
        %dma_wait3A_48 = tpu.memref_squeeze %dma_wait3A_47 : memref<1x400x48xf32, #tpu.memory_space<hbm>> -> memref<400x48xf32, #tpu.memory_space<hbm>>
        %dma_wait3A_49 = arith.constant 9600 : i32
        %dma_wait3A_50 = arith.constant 0 : i32
        %dma_wait3A_51 = tpu.memref_slice %arg11[%dma_wait3A_49, %dma_wait3A_50] : memref<10000x48xf32, #tpu.memory_space<vmem_shared>> -> memref<400x48xf32, #tpu.memory_space<vmem_shared>>
        tpu.wait_dma2 semaphore(%run_scoped3A : memref<!tpu.dma_semaphore, #tpu.memory_space<semaphore_mem>>) src(%dma_wait3A_51 : memref<400x48xf32, #tpu.memory_space<vmem_shared>>) dst(%dma_wait3A_48 : memref<400x48xf32, #tpu.memory_space<hbm>>)
        tpu.yield
      }) : () -> ()
      "tpu.region"() ({
        %run_scoped3A = tpu.sem_alloc : memref<!tpu.dma_semaphore, #tpu.memory_space<semaphore_mem>>
        %dma_start3A = arith.constant 9600 : i32
        %dma_start3A_40 = tpu.memref_slice %arg10[%arg0, %dma_start3A] : memref<2x10000xf32, #tpu.memory_space<hbm>> -> memref<1x400xf32, #tpu.memory_space<hbm>>
        %dma_start3A_41 = tpu.memref_squeeze %dma_start3A_40 : memref<1x400xf32, #tpu.memory_space<hbm>> -> memref<400xf32, #tpu.memory_space<hbm>>
        %dma_start3A_42 = arith.constant 9600 : i32
        %dma_start3A_43 = tpu.memref_slice %arg12[%dma_start3A_42] : memref<10240xf32, #tpu.memory_space<vmem_shared>> -> memref<400xf32, #tpu.memory_space<vmem_shared>>
        tpu.enqueue_dma source(%dma_start3A_43 : memref<400xf32, #tpu.memory_space<vmem_shared>>) target(%dma_start3A_41 : memref<400xf32, #tpu.memory_space<hbm>>) target_semaphore(%run_scoped3A : memref<!tpu.dma_semaphore, #tpu.memory_space<semaphore_mem>>)
        %dma_wait3A = arith.constant 9600 : i32
        %dma_wait3A_44 = tpu.memref_slice %arg10[%arg0, %dma_wait3A] : memref<2x10000xf32, #tpu.memory_space<hbm>> -> memref<1x400xf32, #tpu.memory_space<hbm>>
        %dma_wait3A_45 = tpu.memref_squeeze %dma_wait3A_44 : memref<1x400xf32, #tpu.memory_space<hbm>> -> memref<400xf32, #tpu.memory_space<hbm>>
        %dma_wait3A_46 = arith.constant 9600 : i32
        %dma_wait3A_47 = tpu.memref_slice %arg12[%dma_wait3A_46] : memref<10240xf32, #tpu.memory_space<vmem_shared>> -> memref<400xf32, #tpu.memory_space<vmem_shared>>
        tpu.wait_dma2 semaphore(%run_scoped3A : memref<!tpu.dma_semaphore, #tpu.memory_space<semaphore_mem>>) src(%dma_wait3A_47 : memref<400xf32, #tpu.memory_space<vmem_shared>>) dst(%dma_wait3A_45 : memref<400xf32, #tpu.memory_space<hbm>>)
        tpu.yield
      }) : () -> ()
    } else {
    }
    return
  }
}

module attributes {stable_mosaic.version = 14 : i64} {
  func.func @_node_kernel(%arg0: memref<10000x128xf32, #tpu.memory_space<vmem>>, %arg1: memref<64x272xf32, #tpu.memory_space<vmem>>, %arg2: memref<32x272xf32, #tpu.memory_space<vmem>>, %arg3: memref<1x32xf32, #tpu.memory_space<vmem>>, %arg4: memref<64x1xf32, #tpu.memory_space<vmem>>, %arg5: memref<10000x1xf32, #tpu.memory_space<vmem>>, %arg6: memref<10000x1xf32, #tpu.memory_space<vmem>>, %arg7: memref<10000x32xf32, #tpu.memory_space<vmem>>, %arg8: memref<10000x32xf32, #tpu.memory_space<vmem>>) attributes {dimension_semantics = [], scalar_prefetch = 0 : i64, scratch_operands = 0 : i64, tpu.core_type = #tpu.core_type<tc>} {
    %get3A = arith.constant 0 : index
    %get3A_0 = arith.constant 0 : index
    %get3A_1 = vector.load %arg0[%get3A, %get3A_0] : memref<10000x128xf32, #tpu.memory_space<vmem>>, vector<10000x128xf32>
    %get3A_2 = arith.constant 0 : index
    %get3A_3 = arith.constant 0 : index
    %get3A_4 = vector.load %arg1[%get3A_2, %get3A_3] : memref<64x272xf32, #tpu.memory_space<vmem>>, vector<64x272xf32>
    %get3A_5 = arith.constant 0 : index
    %get3A_6 = arith.constant 0 : index
    %get3A_7 = vector.load %arg2[%get3A_5, %get3A_6] : memref<32x272xf32, #tpu.memory_space<vmem>>, vector<32x272xf32>
    %get3A_8 = arith.constant 0 : index
    %get3A_9 = arith.constant 0 : index
    %get3A_10 = vector.load %arg4[%get3A_8, %get3A_9] : memref<64x1xf32, #tpu.memory_space<vmem>>, vector<64x1xf32>
    %slice3A = vector.extract_strided_slice %get3A_4 {offsets = [0, 0], sizes = [64, 128], strides = [1, 1]} : vector<64x272xf32> to vector<64x128xf32>
    %dot_general3A = arith.constant dense<0.000000e+00> : vector<128x1xf32>
    %dot_general3A_11 = tpu.matmul %slice3A, %get3A_10, %dot_general3A {dimension_numbers = #tpu.dot_dimension_numbers<[0], [0], [1], [1], [0, 1, 1, 1], [], []>, transpose_lhs_hint = false} : vector<64x128xf32>, vector<64x1xf32>, vector<128x1xf32> -> vector<128x1xf32>
    %slice3A_12 = vector.extract_strided_slice %get3A_4 {offsets = [0, 128], sizes = [64, 128], strides = [1, 1]} : vector<64x272xf32> to vector<64x128xf32>
    %dot_general3A_13 = arith.constant dense<0.000000e+00> : vector<128x1xf32>
    %dot_general3A_14 = tpu.matmul %slice3A_12, %get3A_10, %dot_general3A_13 {dimension_numbers = #tpu.dot_dimension_numbers<[0], [0], [1], [1], [0, 1, 1, 1], [], []>, transpose_lhs_hint = false} : vector<64x128xf32>, vector<64x1xf32>, vector<128x1xf32> -> vector<128x1xf32>
    %dot_general3A_15 = arith.constant dense<0.000000e+00> : vector<10000x1xf32>
    %dot_general3A_16 = tpu.matmul %get3A_1, %dot_general3A_11, %dot_general3A_15 {dimension_numbers = #tpu.dot_dimension_numbers<[1], [0], [0], [1], [0, 0, 1, 1], [], []>, transpose_lhs_hint = false} : vector<10000x128xf32>, vector<128x1xf32>, vector<10000x1xf32> -> vector<10000x1xf32>
    %swap3A = arith.constant 0 : index
    %swap3A_17 = arith.constant 0 : index
    %swap3A_18 = vector.load %arg5[%swap3A, %swap3A_17] : memref<10000x1xf32, #tpu.memory_space<vmem>>, vector<10000x1xf32>
    tpu.vector_store %arg5[%swap3A, %swap3A_17], %dot_general3A_16 {strides = array<i32>} : memref<10000x1xf32, #tpu.memory_space<vmem>>, vector<10000x1xf32>,
    %dot_general3A_19 = arith.constant dense<0.000000e+00> : vector<10000x1xf32>
    %dot_general3A_20 = tpu.matmul %get3A_1, %dot_general3A_14, %dot_general3A_19 {dimension_numbers = #tpu.dot_dimension_numbers<[1], [0], [0], [1], [0, 0, 1, 1], [], []>, transpose_lhs_hint = false} : vector<10000x128xf32>, vector<128x1xf32>, vector<10000x1xf32> -> vector<10000x1xf32>
    %swap3A_21 = arith.constant 0 : index
    %swap3A_22 = arith.constant 0 : index
    %swap3A_23 = vector.load %arg6[%swap3A_21, %swap3A_22] : memref<10000x1xf32, #tpu.memory_space<vmem>>, vector<10000x1xf32>
    tpu.vector_store %arg6[%swap3A_21, %swap3A_22], %dot_general3A_20 {strides = array<i32>} : memref<10000x1xf32, #tpu.memory_space<vmem>>, vector<10000x1xf32>,
    %slice3A_24 = vector.extract_strided_slice %get3A_7 {offsets = [0, 0], sizes = [32, 128], strides = [1, 1]} : vector<32x272xf32> to vector<32x128xf32>
    %dot_general3A_25 = arith.constant dense<0.000000e+00> : vector<10000x32xf32>
    %dot_general3A_26 = tpu.matmul %get3A_1, %slice3A_24, %dot_general3A_25 {dimension_numbers = #tpu.dot_dimension_numbers<[1], [1], [0], [0], [0, 0, 1, 0], [], []>, transpose_lhs_hint = false} : vector<10000x128xf32>, vector<32x128xf32>, vector<10000x32xf32> -> vector<10000x32xf32>
    %swap3A_27 = arith.constant 0 : index
    %swap3A_28 = arith.constant 0 : index
    %swap3A_29 = vector.load %arg7[%swap3A_27, %swap3A_28] : memref<10000x32xf32, #tpu.memory_space<vmem>>, vector<10000x32xf32>
    tpu.vector_store %arg7[%swap3A_27, %swap3A_28], %dot_general3A_26 {strides = array<i32>} : memref<10000x32xf32, #tpu.memory_space<vmem>>, vector<10000x32xf32>,
    %slice3A_30 = vector.extract_strided_slice %get3A_7 {offsets = [0, 128], sizes = [32, 128], strides = [1, 1]} : vector<32x272xf32> to vector<32x128xf32>
    %dot_general3A_31 = arith.constant dense<0.000000e+00> : vector<10000x32xf32>
    %dot_general3A_32 = tpu.matmul %get3A_1, %slice3A_30, %dot_general3A_31 {dimension_numbers = #tpu.dot_dimension_numbers<[1], [1], [0], [0], [0, 0, 1, 0], [], []>, transpose_lhs_hint = false} : vector<10000x128xf32>, vector<32x128xf32>, vector<10000x32xf32> -> vector<10000x32xf32>
    %get3A_33 = arith.constant 0 : index
    %get3A_34 = arith.constant 0 : index
    %get3A_35 = vector.load %arg3[%get3A_33, %get3A_34] : memref<1x32xf32, #tpu.memory_space<vmem>>, vector<1x32xf32>
    %add3A = vector.broadcast %get3A_35 : vector<1x32xf32> to vector<10000x32xf32>
    %add3A_36 = arith.addf %dot_general3A_32, %add3A : vector<10000x32xf32>
    %swap3A_37 = arith.constant 0 : index
    %swap3A_38 = arith.constant 0 : index
    %swap3A_39 = vector.load %arg8[%swap3A_37, %swap3A_38] : memref<10000x32xf32, #tpu.memory_space<vmem>>, vector<10000x32xf32>
    tpu.vector_store %arg8[%swap3A_37, %swap3A_38], %add3A_36 {strides = array<i32>} : memref<10000x32xf32, #tpu.memory_space<vmem>>, vector<10000x32xf32>,
    return
  }
}

module attributes {stable_mosaic.version = 14 : i64} {
  func.func @_edge_kernel(%arg0: i32, %arg1: memref<1600x128xf32, #tpu.memory_space<vmem>>, %arg2: memref<64x272xf32, #tpu.memory_space<vmem>>, %arg3: memref<64x1xf32, #tpu.memory_space<vmem>>, %arg4: memref<1x64xf32, #tpu.memory_space<vmem>>, %arg5: memref<1600x8xf32, #tpu.memory_space<vmem>>) attributes {dimension_semantics = [#tpu.dimension_semantics<arbitrary>], iteration_bounds = array<i64: 25>, scalar_prefetch = 0 : i64, scratch_operands = 0 : i64, tpu.core_type = #tpu.core_type<tc>, window_params = [{transform_indices = @transform_0, window_bounds = array<i64: 1600, 128>}, {pipeline_mode = #tpu.pipeline_mode<synchronous>, transform_indices = @transform_1, window_bounds = array<i64: 64, 272>}, {pipeline_mode = #tpu.pipeline_mode<synchronous>, transform_indices = @transform_2, window_bounds = array<i64: 64, 1>}, {pipeline_mode = #tpu.pipeline_mode<synchronous>, transform_indices = @transform_3, window_bounds = array<i64: 1, 64>}, {transform_indices = @transform_4, window_bounds = array<i64: 1600, 8>}]} {
    %get3A = arith.constant 0 : index
    %get3A_0 = arith.constant 0 : index
    %get3A_1 = vector.load %arg1[%get3A, %get3A_0] : memref<1600x128xf32, #tpu.memory_space<vmem>>, vector<1600x128xf32>
    %get3A_2 = arith.constant 0 : index
    %get3A_3 = arith.constant 0 : index
    %get3A_4 = vector.load %arg2[%get3A_2, %get3A_3] : memref<64x272xf32, #tpu.memory_space<vmem>>, vector<64x272xf32>
    %slice3A = vector.extract_strided_slice %get3A_4 {offsets = [0, 256], sizes = [64, 16], strides = [1, 1]} : vector<64x272xf32> to vector<64x16xf32>
    %get3A_5 = arith.constant 0 : index
    %get3A_6 = arith.constant 0 : index
    %get3A_7 = vector.load %arg3[%get3A_5, %get3A_6] : memref<64x1xf32, #tpu.memory_space<vmem>>, vector<64x1xf32>
    %dot_general3A = arith.constant dense<0.000000e+00> : vector<16x1xf32>
    %dot_general3A_8 = tpu.matmul %slice3A, %get3A_7, %dot_general3A {dimension_numbers = #tpu.dot_dimension_numbers<[0], [0], [1], [1], [0, 1, 1, 1], [], []>, transpose_lhs_hint = false} : vector<64x16xf32>, vector<64x1xf32>, vector<16x1xf32> -> vector<16x1xf32>
    %get3A_9 = arith.constant 0 : index
    %get3A_10 = arith.constant 0 : index
    %get3A_11 = vector.load %arg4[%get3A_9, %get3A_10] : memref<1x64xf32, #tpu.memory_space<vmem>>, vector<1x64xf32>
    %get3A_12 = arith.constant 0 : index
    %get3A_13 = arith.constant 0 : index
    %get3A_14 = vector.load %arg3[%get3A_12, %get3A_13] : memref<64x1xf32, #tpu.memory_space<vmem>>, vector<64x1xf32>
    %dot_general3A_15 = arith.constant dense<0.000000e+00> : vector<1x1xf32>
    %dot_general3A_16 = tpu.matmul %get3A_11, %get3A_14, %dot_general3A_15 {dimension_numbers = #tpu.dot_dimension_numbers<[1], [0], [0], [1], [0, 0, 1, 1], [], []>, transpose_lhs_hint = false} : vector<1x64xf32>, vector<64x1xf32>, vector<1x1xf32> -> vector<1x1xf32>
    %concatenate3A = tpu.concatenate %dot_general3A_8, %dot_general3A_8, %dot_general3A_8, %dot_general3A_8, %dot_general3A_8, %dot_general3A_8, %dot_general3A_8, %dot_general3A_8 in 0 : vector<16x1xf32>, vector<16x1xf32>, vector<16x1xf32>, vector<16x1xf32>, vector<16x1xf32>, vector<16x1xf32>, vector<16x1xf32>, vector<16x1xf32> -> vector<128x1xf32>
    %iota3A = tpu.iota {dimensions = array<i32: 0>} : vector<128x8xi32>
    %iota3A_17 = tpu.iota {dimensions = array<i32: 1>} : vector<128x8xi32>
    %jit3A = arith.constant 16 : i32
    %div3A = vector.broadcast %jit3A : i32 to vector<128x8xi32>
    %div3A_18 = arith.divsi %iota3A, %div3A : vector<128x8xi32>
    %sign3A = arith.constant 0 : i32
    %sign3A_19 = vector.broadcast %sign3A : i32 to vector<128x8xi32>
    %sign3A_20 = arith.cmpi sgt, %iota3A, %sign3A_19 : vector<128x8xi32>
    %sign3A_21 = arith.extui %sign3A_20 : vector<128x8xi1> to vector<128x8xi32>
    %sign3A_22 = arith.constant 0 : i32
    %sign3A_23 = vector.broadcast %sign3A_22 : i32 to vector<128x8xi32>
    %sign3A_24 = arith.cmpi slt, %iota3A, %sign3A_23 : vector<128x8xi32>
    %sign3A_25 = arith.extui %sign3A_24 : vector<128x8xi1> to vector<128x8xi32>
    %sign3A_26 = arith.subi %sign3A_21, %sign3A_25 : vector<128x8xi32>
    %sign3A_27 = arith.constant 0 : i32
    %sign3A_28 = arith.cmpi sgt, %jit3A, %sign3A_27 : i32
    %sign3A_29 = arith.extui %sign3A_28 : i1 to i32
    %sign3A_30 = arith.constant 0 : i32
    %sign3A_31 = arith.cmpi slt, %jit3A, %sign3A_30 : i32
    %sign3A_32 = arith.extui %sign3A_31 : i1 to i32
    %sign3A_33 = arith.subi %sign3A_29, %sign3A_32 : i32
    %ne3A = vector.broadcast %sign3A_33 : i32 to vector<128x8xi32>
    %ne3A_34 = arith.cmpi ne, %sign3A_26, %ne3A : vector<128x8xi32>
    %rem3A = vector.broadcast %jit3A : i32 to vector<128x8xi32>
    %rem3A_35 = arith.remsi %iota3A, %rem3A : vector<128x8xi32>
    %ne3A_36 = arith.constant 0 : i32
    %ne3A_37 = vector.broadcast %ne3A_36 : i32 to vector<128x8xi32>
    %ne3A_38 = arith.cmpi ne, %rem3A_35, %ne3A_37 : vector<128x8xi32>
    %and3A = arith.andi %ne3A_34, %ne3A_38 : vector<128x8xi1>
    %sub3A = arith.constant 1 : i32
    %sub3A_39 = vector.broadcast %sub3A : i32 to vector<128x8xi32>
    %sub3A_40 = arith.subi %div3A_18, %sub3A_39 : vector<128x8xi32>
    %select_n3A = arith.select %and3A, %sub3A_40, %div3A_18 : vector<128x8xi1>, vector<128x8xi32>
    %eq3A = arith.cmpi eq, %select_n3A, %iota3A_17 : vector<128x8xi32>
    %jit3A_41 = arith.constant 0.000000e+00 : f32
    %broadcast_in_dim3A = vector.shape_cast %concatenate3A : vector<128x1xf32> to vector<128x1xf32>
    %broadcast_in_dim3A_42 = vector.broadcast %broadcast_in_dim3A : vector<128x1xf32> to vector<128x8xf32>
    %broadcast_in_dim3A_43 = vector.broadcast %jit3A_41 : f32 to vector<128x8xf32>
    %select_n3A_44 = arith.select %eq3A, %broadcast_in_dim3A_42, %broadcast_in_dim3A_43 : vector<128x8xi1>, vector<128x8xf32>
    %dot_general3A_45 = arith.constant dense<0.000000e+00> : vector<1600x8xf32>
    %dot_general3A_46 = tpu.matmul %get3A_1, %select_n3A_44, %dot_general3A_45 {dimension_numbers = #tpu.dot_dimension_numbers<[1], [0], [0], [1], [0, 0, 1, 1], [], []>, transpose_lhs_hint = false} : vector<1600x128xf32>, vector<128x8xf32>, vector<1600x8xf32> -> vector<1600x8xf32>
    %squeeze3A = vector.extract %dot_general3A_16[0, 0] : f32 from vector<1x1xf32>
    %add3A = vector.broadcast %squeeze3A : f32 to vector<1600x8xf32>
    %add3A_47 = arith.addf %dot_general3A_46, %add3A : vector<1600x8xf32>
    %swap3A = arith.constant 0 : index
    %swap3A_48 = arith.constant 0 : index
    %swap3A_49 = vector.load %arg5[%swap3A, %swap3A_48] : memref<1600x8xf32, #tpu.memory_space<vmem>>, vector<1600x8xf32>
    tpu.vector_store %arg5[%swap3A, %swap3A_48], %add3A_47 {strides = array<i32>} : memref<1600x8xf32, #tpu.memory_space<vmem>>, vector<1600x8xf32>,
    return
  }
  func.func @transform_0(%arg0: i32) -> (i32, i32) {
    %c0_i32 = arith.constant 0 : i32
    %c0_i32_0 = arith.constant 0 : i32
    return %arg0, %c0_i32 : i32, i32
  }
  func.func @transform_1(%arg0: i32) -> (i32, i32) {
    %c0_i32 = arith.constant 0 : i32
    %c0_i32_0 = arith.constant 0 : i32
    %c0_i32_1 = arith.constant 0 : i32
    return %c0_i32, %c0_i32_0 : i32, i32
  }
  func.func @transform_2(%arg0: i32) -> (i32, i32) {
    %c0_i32 = arith.constant 0 : i32
    %c0_i32_0 = arith.constant 0 : i32
    %c0_i32_1 = arith.constant 0 : i32
    return %c0_i32, %c0_i32_0 : i32, i32
  }
  func.func @transform_3(%arg0: i32) -> (i32, i32) {
    %c0_i32 = arith.constant 0 : i32
    %c0_i32_0 = arith.constant 0 : i32
    %c0_i32_1 = arith.constant 0 : i32
    return %c0_i32, %c0_i32_0 : i32, i32
  }
  func.func @transform_4(%arg0: i32) -> (i32, i32) {
    %c0_i32 = arith.constant 0 : i32
    %c0_i32_0 = arith.constant 0 : i32
    return %arg0, %c0_i32 : i32, i32
  }
}

module attributes {stable_mosaic.version = 14 : i64} {
  func.func @_combine_kernel(%arg0: memref<2x10000x48xf32, #tpu.memory_space<vmem>>, %arg1: memref<2x10000x1xf32, #tpu.memory_space<vmem>>, %arg2: memref<10000x32xf32, #tpu.memory_space<vmem>>, %arg3: memref<32x272xf32, #tpu.memory_space<vmem>>, %arg4: memref<10000x32xf32, #tpu.memory_space<vmem>>) attributes {dimension_semantics = [], scalar_prefetch = 0 : i64, scratch_operands = 0 : i64, tpu.core_type = #tpu.core_type<tc>} {
    %get3A = arith.constant 0 : index
    %get3A_0 = arith.constant 0 : index
    %get3A_1 = arith.constant 0 : index
    %get3A_2 = vector.load %arg0[%get3A, %get3A_0, %get3A_1] : memref<2x10000x48xf32, #tpu.memory_space<vmem>>, vector<1x10000x48xf32>
    %get3A_3 = vector.shape_cast %get3A_2 : vector<1x10000x48xf32> to vector<10000x48xf32>
    %get3A_4 = arith.constant 1 : index
    %get3A_5 = arith.constant 0 : index
    %get3A_6 = arith.constant 0 : index
    %get3A_7 = vector.load %arg0[%get3A_4, %get3A_5, %get3A_6] : memref<2x10000x48xf32, #tpu.memory_space<vmem>>, vector<1x10000x48xf32>
    %get3A_8 = vector.shape_cast %get3A_7 : vector<1x10000x48xf32> to vector<10000x48xf32>
    %add3A = arith.addf %get3A_3, %get3A_8 : vector<10000x48xf32>
    %slice3A = vector.extract_strided_slice %add3A {offsets = [0, 0], sizes = [10000, 32], strides = [1, 1]} : vector<10000x48xf32> to vector<10000x32xf32>
    %slice3A_9 = vector.extract_strided_slice %add3A {offsets = [0, 32], sizes = [10000, 16], strides = [1, 1]} : vector<10000x48xf32> to vector<10000x16xf32>
    %get3A_10 = arith.constant 0 : index
    %get3A_11 = arith.constant 0 : index
    %get3A_12 = vector.load %arg3[%get3A_10, %get3A_11] : memref<32x272xf32, #tpu.memory_space<vmem>>, vector<32x272xf32>
    %slice3A_13 = vector.extract_strided_slice %get3A_12 {offsets = [0, 256], sizes = [32, 16], strides = [1, 1]} : vector<32x272xf32> to vector<32x16xf32>
    %dot_general3A = arith.constant dense<0.000000e+00> : vector<10000x32xf32>
    %dot_general3A_14 = tpu.matmul %slice3A_9, %slice3A_13, %dot_general3A {dimension_numbers = #tpu.dot_dimension_numbers<[1], [1], [0], [0], [0, 0, 1, 0], [], []>, transpose_lhs_hint = false} : vector<10000x16xf32>, vector<32x16xf32>, vector<10000x32xf32> -> vector<10000x32xf32>
    %get3A_15 = arith.constant 0 : index
    %get3A_16 = arith.constant 0 : index
    %get3A_17 = arith.constant 0 : index
    %get3A_18 = vector.load %arg1[%get3A_15, %get3A_16, %get3A_17] : memref<2x10000x1xf32, #tpu.memory_space<vmem>>, vector<1x10000x1xf32>
    %get3A_19 = vector.shape_cast %get3A_18 : vector<1x10000x1xf32> to vector<10000x1xf32>
    %get3A_20 = arith.constant 1 : index
    %get3A_21 = arith.constant 0 : index
    %get3A_22 = arith.constant 0 : index
    %get3A_23 = vector.load %arg1[%get3A_20, %get3A_21, %get3A_22] : memref<2x10000x1xf32, #tpu.memory_space<vmem>>, vector<1x10000x1xf32>
    %get3A_24 = vector.shape_cast %get3A_23 : vector<1x10000x1xf32> to vector<10000x1xf32>
    %add3A_25 = arith.addf %get3A_19, %get3A_24 : vector<10000x1xf32>
    %gt3A = arith.constant 0.000000e+00 : f32
    %gt3A_26 = vector.broadcast %gt3A : f32 to vector<10000x1xf32>
    %gt3A_27 = arith.cmpf ogt, %add3A_25, %gt3A_26 : vector<10000x1xf32>
    %jit3A = arith.constant 1.000000e+00 : f32
    %broadcast_in_dim3A = vector.broadcast %jit3A : f32 to vector<10000x1xf32>
    %select_n3A = arith.select %gt3A_27, %add3A_25, %broadcast_in_dim3A : vector<10000x1xi1>, vector<10000x1xf32>
    %add3A_28 = arith.addf %slice3A, %dot_general3A_14 : vector<10000x32xf32>
    %div3A = vector.broadcast %select_n3A : vector<10000x1xf32> to vector<10000x32xf32>
    %div3A_29 = arith.divf %add3A_28, %div3A : vector<10000x32xf32>
    %get3A_30 = arith.constant 0 : index
    %get3A_31 = arith.constant 0 : index
    %get3A_32 = vector.load %arg2[%get3A_30, %get3A_31] : memref<10000x32xf32, #tpu.memory_space<vmem>>, vector<10000x32xf32>
    %add3A_33 = arith.addf %div3A_29, %get3A_32 : vector<10000x32xf32>
    %jit3A_34 = arith.constant 0.000000e+00 : f32
    %broadcast_in_dim3A_35 = vector.shape_cast %gt3A_27 : vector<10000x1xi1> to vector<10000x1xi1>
    %broadcast_in_dim3A_36 = vector.broadcast %broadcast_in_dim3A_35 : vector<10000x1xi1> to vector<10000x32xi1>
    %broadcast_in_dim3A_37 = vector.broadcast %jit3A_34 : f32 to vector<10000x32xf32>
    %select_n3A_38 = arith.select %broadcast_in_dim3A_36, %add3A_33, %broadcast_in_dim3A_37 : vector<10000x32xi1>, vector<10000x32xf32>
    %max3A = arith.constant 0.000000e+00 : f32
    %max3A_39 = vector.broadcast %max3A : f32 to vector<10000x32xf32>
    %max3A_40 = arith.maximumf %select_n3A_38, %max3A_39 : vector<10000x32xf32>
    %swap3A = arith.constant 0 : index
    %swap3A_41 = arith.constant 0 : index
    %swap3A_42 = vector.load %arg4[%swap3A, %swap3A_41] : memref<10000x32xf32, #tpu.memory_space<vmem>>, vector<10000x32xf32>
    tpu.vector_store %arg4[%swap3A, %swap3A_41], %max3A_40 {strides = array<i32>} : memref<10000x32xf32, #tpu.memory_space<vmem>>, vector<10000x32xf32>,
    return
  }
}

</mosaic_0001>

<sc_bundles>
// kernel: kernel.6.cloned.1.call-start
scs
__scs_entry_jumppad:
0x0: {  	(pc) =	sbr.rel $0x88, $3  }
0x1: {  	(tag) =	ssettag $0x0;
	lr =	simm.s32 $0x1  }
0x2: {  	[smem:$0x3F99] =	sst lr;
	_ =	strace $0xD0000000  }
0x3: {  	_ = 	snop  }
0x4: {  	_ = 	snop  }
0x5: {  	_ = 	snop  }
0x6: {  	_ = 	snop  }
0x7: {  	_ = 	snop  }
__scs_overlays_trampoline_lowered:
0x8: {  	[smem:$0x3FA8] =	sst s0  }
0x9: {  	[smem:$0x3FA9] =	sst s1  }
0xa: {  	[smem:$0x3FAA] =	sst s2  }
0xb: {  	[smem:$0x3FAB] =	sst s3  }
0xc: {  	[smem:$0x3FAC] =	sst s4  }
0xd: {  	[smem:$0x3FAD] =	sst s5  }
0xe: {  	[smem:$0x3FAE] =	sst s6  }
0xf: {  	[smem:$0x3FAF] =	sst s7  }
0x10: {  	[smem:$0x3FB0] =	sst s8  }
0x11: {  	[smem:$0x3FB1] =	sst s9;
	s0 =	simm.s32 @!p0 $0x0  }
0x12: {  	s1 =	sld [smem:$0x3F97];
	s0 =	simm.s32 @p0 $0x1  }
0x13: {  	[smem:$0x3FB2] =	sst s0;
	s0 =	simm.s32 @!p1 $0x0  }
0x14: {  	s2 =	sld [smem:$0x3F96];
	s0 =	simm.s32 @p1 $0x1  }
0x15: {  	[smem:$0x3FB3] =	sst s0;
	s0 =	simm.s32 @!p2 $0x0  }
0x16: {  	s3 =	sld [smem:$0x3FDB];
	s0 =	simm.s32 @p2 $0x1  }
0x17: {  	s4 =	simm.s32 $0x1BF5;
	[smem:$0x3FB5] =	sst s0  }
0x18: {  	s0 =	sld [smem:$0x3F98];
	_ =	swait.ge [sflag:s4], $0x0  }
0x19: {  	s7 =	sld [smem:$0x3F99]  }
0x1a: {  	s8 =	sadd.s32 $0xFFFFE003, lr  }
0x1b: {  	s9 =	sadd.s32 $0xFFFFFEF7, lr;
	s5 =	simm.s32 $0xFFFFFFFF;
	p2 =	slt.u32 s8, $0xFFFFF086  }
0x1c: {  	p1 =	slt.u32 s9, $0xF7A;
	s5 =	simm.s32 @!p2 $0x0  }
0x1d: {  	s5 =	simm.s32 @p1 $0x1;
	p0 =	seq.s32 s7, s2  }
0x1e: {  	s7 =	smul.u32 @!p0 $0xF7A, s2;
	p2 =	seq.s32 @!p0 s5, $0x0  }
0x1f: {  	s9 =	smul.u32 $0xF7A, s1;
	s8 =	simm.s32 @!p0 $0x1BF5;
	p2 =	por !p2, p0  }
0x20: {  	[sflag:s8] =	ssyncset.s32 @!p0 $0xFFFFF086;
	s6 =	sadd.s32 @!p0 s3, s7;
	s7 =	simm.s32 @!p0 $0x108  }
0x21: {  	s3 =	sadd.s32 s3, s9;
	s6 =	sadd.s32 @!p0 $0x88, s6;
	s7 =	simm.s32 @p2 $0x1082  }
0x22: {  	[simem:s7], [sflag:s8] =	dma.local @!p0 [hbm:s6], $0xF7A  }
0x23: {  	s9 =	sor.u32 $0xD0000000, s2;
	s6 =	simm.s32 $0x108;
	_ =	swait.ge @!p0 [sflag:s8], $0x0  }
0x24: {  	s3 =	sadd.s32 $0x88, s3;
	s6 =	simm.s32 @!p1 $0x1082;
	[sflag:s4] =	ssyncset.s32 $0xFFFFF086  }
0x25: {  	[simem:s6], [sflag:s4] =	dma.local [hbm:s3], $0xF7A  }
0x26: {  	[smem:$0x3F99] =	sst s1;
	(tag) =	ssettag s2;
	_ =	strace s9  }
0x27: {  	s1 =	sld [smem:$0x3FA9]  }
0x28: {  	s2 =	sld [smem:$0x3FAA]  }
0x29: {  	s4 =	sld [smem:$0x3FAC]  }
0x2a: {  	p0 =	seq.s32 s5, $0x0;
	s5 =	sld [smem:$0x3FAD]  }
0x2b: {  	s6 =	sld [smem:$0x3FAE]  }
0x2c: {  	s7 =	sld [smem:$0x3FAF]  }
0x2d: {  	s3 =	simm.s32 $0x108;
	s8 =	sld [smem:$0x3FB0]  }
0x2e: {  	s3 =	simm.s32 @!p0 $0x1082;
	s9 =	sld [smem:$0x3FB1]  }
0x2f: {  	lr =	sadd.s32 s0, s3;
	s0 =	sld [smem:$0x3FA8]  }
0x30: {  	s3 =	sld [smem:$0x3FAB]  }
0x31: {  	[smem:$0x3FB4] =	sst s10  }
0x32: {  	s10 =	sld [smem:$0x3FB2];
	_ =	sdelay $0x3  }
0x33: {  	p0 =	seq.s32 s10, $0x1;
	s10 =	sld [smem:$0x3FB4];
	_ =	sdelay $0x3  }
0x34: {  	[smem:$0x3FB4] =	sst s10  }
0x35: {  	s10 =	sld [smem:$0x3FB3];
	_ =	sdelay $0x3  }
0x36: {  	p1 =	seq.s32 s10, $0x1;
	s10 =	sld [smem:$0x3FB4];
	_ =	sdelay $0x3  }
0x37: {  	[smem:$0x3FB4] =	sst s10  }
0x38: {  	s10 =	sld [smem:$0x3FB5]  }
0x39: {  	_ = 	snop;
	(pc) =	sbr.ind lr, $3  }
0x3a: {  	_ = 	snop  }
0x3b: {  	_ = 	snop  }
0x3c: {  	p2 =	seq.s32 s10, $0x1;
	s10 =	sld [smem:$0x3FB4]  }
0x3d: {  	_ =	shalt  }
0x3e: {  	_ =	shalt  }
0x3f: {  	_ =	shalt  }
0x40: {  	_ =	shalt  }
0x41: {  	_ =	shalt  }
0x42: {  	_ =	shalt  }
0x43: {  	_ =	shalt  }
0x44: {  	_ =	shalt  }
0x45: {  	_ =	shalt  }
0x46: {  	_ =	shalt  }
0x47: {  	_ =	shalt  }
0x48: {  	_ =	shalt  }
0x49: {  	_ =	shalt  }
0x4a: {  	_ =	shalt  }
0x4b: {  	_ =	shalt  }
0x4c: {  	_ =	shalt  }
0x4d: {  	_ =	shalt  }
0x4e: {  	_ =	shalt  }
0x4f: {  	_ =	shalt  }
0x50: {  	_ =	shalt  }
0x51: {  	_ =	shalt  }
0x52: {  	_ =	shalt  }
0x53: {  	_ =	shalt  }
0x54: {  	_ =	shalt  }
0x55: {  	_ =	shalt  }
0x56: {  	_ =	shalt  }
0x57: {  	_ =	shalt  }
0x58: {  	_ =	shalt  }
0x59: {  	_ =	shalt  }
0x5a: {  	_ =	shalt  }
0x5b: {  	_ =	shalt  }
0x5c: {  	_ =	shalt  }
0x5d: {  	_ =	shalt  }
0x5e: {  	_ =	shalt  }
0x5f: {  	_ =	shalt  }
0x60: {  	_ =	shalt  }
0x61: {  	_ =	shalt  }
0x62: {  	_ =	shalt  }
0x63: {  	_ =	shalt  }
0x64: {  	_ =	shalt  }
0x65: {  	_ =	shalt  }
0x66: {  	_ =	shalt  }
0x67: {  	_ =	shalt  }
0x68: {  	_ =	shalt  }
0x69: {  	_ =	shalt  }
0x6a: {  	_ =	shalt  }
0x6b: {  	_ =	shalt  }
0x6c: {  	_ =	shalt  }
0x6d: {  	_ =	shalt  }
0x6e: {  	_ =	shalt  }
0x6f: {  	_ =	shalt  }
0x70: {  	_ =	shalt  }
0x71: {  	_ =	shalt  }
0x72: {  	_ =	shalt  }
0x73: {  	_ =	shalt  }
0x74: {  	_ =	shalt  }
0x75: {  	_ =	shalt  }
0x76: {  	_ =	shalt  }
0x77: {  	_ =	shalt  }
0x78: {  	_ =	shalt  }
0x79: {  	_ =	shalt  }
0x7a: {  	_ =	shalt  }
0x7b: {  	_ =	shalt  }
0x7c: {  	_ =	shalt  }
0x7d: {  	_ =	shalt  }
0x7e: {  	_ =	shalt  }
0x7f: {  	_ =	shalt  }
0x80: {  	_ =	shalt  }
0x81: {  	_ =	shalt  }
0x82: {  	_ =	shalt  }
0x83: {  	_ =	shalt  }
0x84: {  	_ =	shalt  }
0x85: {  	_ =	shalt  }
0x86: {  	_ =	shalt  }
0x87: {  	_ =	shalt  }
.Lfunc_end0:
.L_simem_size_0:
called_computation_lowered:
.L_overlay_start_0:
0x88: {  	s2 =	sld [smem:$0x3FD9]  }
0x89: {  	s3 =	sld [smem:$0x3FFE];
	_ =	sdelay $0x1  }
0x8a: {  	s1 =	srdreg.scid  }
0x8b: {  	s0 =	sand.u32 $0x1, s1  }
0x8c: {  	s17 =	sshll.u32 s0, $0xA;
	s2 =	sadd.s32 s3, s2  }
0x8d: {  	s2 =	sadd.s32 s2, s17  }
0x8e: {  	[smem:$0x3FC0] =	sst s2  }
0x8f: {  	_ = 	snop  }
0x90: {  	s2 =	sld [smem:$0x3FD0];
	(tm) =	ssettm $0x1  }
0x91: {  	s18 =	sld [smem:$0x3FFB];
	_ =	sdelay $0x3  }
0x92: {  	_ =	strace s18  }
0x93: {  	s3 =	sld [smem:$0x3FFC];
	_ =	sdelay $0x3  }
0x94: {  	_ =	strace s3  }
0x95: {  	s3 =	sld [smem:$0x3FFD];
	_ =	sdelay $0x3  }
0x96: {  	_ =	strace s3  }
0x97: {  	_ =	strace $0x8FFFFFFF  }
0x98: {  	s19 =	sld [smem:$0x3FDB];
	_ =	sdelay $0x1  }
0x99: {  	s4 =	simm.s32 $_scs_section_size  }
0x9a: {  	s5 =	simm.s32 $_size__tile_overlayer_lowered;
	s6 =	simm.s32 $_tile_overlayer_lowered  }
0x9b: {  	s22 =	simm.s32 $0x1BFF;
	s21 =	sshll.u32 s6, $0x1;
	s3 =	sadd.s32 s4, s19  }
0x9c: {  	s7 =	simm.s32 $0x0;
	s20 =	sshll.u32 s5, $0x1;
	s5 =	sadd.s32 s21, s3  }
0x9d: {  	[timem:s7], [sflag:s22] =	dma.local [hbm:s5], s20  }
0x9e: {  	_ =	swait.ge [sflag:s22], s20  }
0x9f: {  	s4 =	ssub.s32 $0x0, s20;
	[sflag:s22] =	ssyncset.done $0x0  }
0xa0: {  	[sflag:s22] =	ssyncadd.s32 s4;
	_ =	sdelay $0x1  }
0xa1: {  	s23 =	simm.s32 $0x1B8B  }
0xa2: {  	_ =	swait.ge [sflag:s23], $0x1  }
0xa3: {  	[sflag:s23] =	ssyncset.done $0x0  }
0xa4: {  	s25 =	simm.s32 $0x1B8E;
	s24 =	sld [smem:$0x3FFE];
	[sflag:s23] =	ssyncadd.s32 $0xFFFFFFFF  }
0xa5: {  	s26 =	simm.s32 $execute0_lowered;
	[smem:$0x3FD2] =	sst s25  }
0xa6: {  	s5 =	sshll.u32 s26, $0x1;
	_ =	strace $0x80000046;
	[dreg:$0x1] =	wrdreg $0xFFFFFFFF  }
0xa7: {  	s28 =	simm.s32 $_size_execute0_lowered;
	s3 =	sadd.s32 s3, s5;
	[dreg:$0x0] =	wrdreg $0x0  }
0xa8: {  	s5 =	sshll.u32 s28, $0x1;
	[dreg:$0x2] =	wrdreg s3  }
0xa9: {  	[dreg:$0x3] =	wrdreg s5  }
0xaa: {  	[dreg:$0x4] =	wrdreg $0xC0  }
0xab: {  	_ =	task [dreg:s7], $0x5FFFF  }
0xac: {  	[dreg:$0x1] =	wrdreg $0xFFFFFFFF  }
0xad: {  	[dreg:$0x0] =	wrdreg $0x60  }
0xae: {  	[dreg:$0x2] =	wrdreg s24  }
0xaf: {  	[dreg:$0x3] =	wrdreg s2  }
0xb0: {  	[dreg:$0x4] =	wrdreg $0x0  }
0xb1: {  	[dreg:$0x5] =	wrdreg $0x75300  }
0xb2: {  	[dreg:$0x6] =	wrdreg $0x9  }
0xb3: {  	_ =	task.clear_ibuf [dreg:s7], $0x7FFFF;
	_ =	strace $0x90000046  }
0xb4: {  	s29 =	simm.s32 $0x9;
	_ =	strace $0x80000048  }
0xb5: {  	_ =	swait.ge [sflag:s29], $0x1  }
0xb6: {  	[sflag:s29] =	ssyncadd.s32 $0xFFFFFFFF  }
0xb7: {  	_ =	strace $0x90000048  }
0xb8: {  	_ =	sfence  }
0xb9: {  	s30 =	sld [smem:$0x0];
	_ =	sdelay $0x2  }
0xba: {  	s31 =	sshll.u32 s1, $0xD;
	s1 =	sshrl.u32 s1, $0x2  }
0xbb: {  	s3 =	sand.u32 $0x4000, s31;
	s1 =	sadd.s32 s1, s30  }
0xbc: {  	s0 =	sor.u32 s3, s0;
	s1 =	sshll.u32 s1, $0x11  }
0xbd: {  	s0 =	sor.u32 s1, s0  }
0xbe: {  	s0 =	sadd.s32 $0x8F2B, s0  }
0xbf: {  	[sflag:s0] =	ssyncadd.remote.s32 $0x1  }
0xc0: {  	_ =	sfence.sel $0xFFFF  }
0xc1: {  	[dreg:$0x0] =	wrdreg $0xFFFFFFFF;
	(pc) =	sbr.abs _section_cstart, $3  }
0xc2: {  	[dreg:$0x1] =	wrdreg $0xFFFFFFFF  }
0xc3: {  	_ =	task.clear_ibuf [dreg:s7], $0x2FFFF;
	_ =	strace $0x9FFFFFFF  }
0xc4: {  	(tm) =	ssettm $0x7FFFFFFF  }
0xc5: {  	_ =	shalt  }
tec
execute0_lowered:
.L_overlay_start_1:
0x0: {  	(tag) =	ssettag $0x1  }
0x1: {  	s0 =	rddreg [dreg:$0x0]  }
0x2: {  	s1 =	rddreg [dreg:$0x1]  }
0x3: {  	s2 =	rddreg [dreg:$0x2]  }
0x4: {  	s3 =	rddreg [dreg:$0x3];
	s4 =	simm.s32 $0x0;
	s20 =	srdreg.scid  }
0x5: {  	s28 =	simm.s32 $0xC5D0;
	s29 =	simm.s32 $0xC760;
	s30 =	simm.s32 $0xC8F0  }
0x6: {  	s31 =	simm.s32 $0xFE10;
	[smem:$0x7FF] =	sst s4;
	s5 =	sadd.s32 $0x14C00, s0  }
0x7: {  	s6 =	sadd.s32 $0xA800, s0;
	s19 =	sadd.s32 $0xA200, s0;
	s9 =	sadd.s32 $0xAE00, s0  }
0x8: {  	_ =	strace $0x80000047;
	[dreg:$0x6] =	wrdreg s19;
	s19 =	stileid.u32  }
0x9: {  	[dreg:$0x5] =	wrdreg s6;
	s6 =	sand.u32 $0x1, s20;
	s12 =	smul.u32 $0x1E000, s19  }
0xa: {  	s10 =	sadd.s32 $0x400, s0;
	s11 =	sadd.s32 $0x57E800, s0;
	s16 =	smul.u32 $0x75300, s6  }
0xb: {  	s7 =	sadd.s32 $0x1EA00, s0;
	s0 =	sadd.s32 $0x3C000, s0;
	s17 =	smul.u32 $0x7800, s19  }
0xc: {  	s8 =	ssub.s32 $0x2, s6;
	s21 =	sshll.u32 s6, $0x4;
	s18 =	smul.u32 $0x280, s19  }
0xd: {  	s6 =	smul.u32 $0x2710, s6;
	p0 =	seq.s32 s19, $0xF;
	s13 =	sshrl.u32 s8, $0x1  }
0xe: {  	s15 =	sor.u32 s19, s21;
	s21 =	simm.s32 $0xCC10;
	s8 =	ssub.s32 s8, s13  }
0xf: {  	s12 =	sshrl.u32 s12, $0x2;
	s13 =	sadd.s32 $0x70800, s2;
	s22 =	sadd.s32 s17, s16  }
0x10: {  	s14 =	sadd.s32 s18, s3;
	s15 =	smul.u32 $0x2710, s15;
	s23 =	sadd.s32 s18, s6  }
0x11: {  	s16 =	sshrl.u32 s16, $0x3;
	s6 =	sshrl.u32 s6, $0x3;
	s12 =	sadd.s32 s12, s2  }
0x12: {  	s6 =	sadd.s32 s0, s6;
	s26 =	smax.u32 s8, $0x1;
	s8 =	simm.s32 $0xCA80  }
0x13: {  	[dreg:$0x7] =	wrdreg s12;
	s12 =	sshrl.u32 s22, $0x3;
	s25 =	sadd.s32 $0x4B0, s6  }
0x14: {  	[dreg:$0xc] =	wrdreg s26;
	s22 =	simm.s32 $0x2;
	s26 =	simm.s32 $0x9EC0  }
0x15: {  	s6 =	simm.s32 $0x1;
	s12 =	sadd.s32 s7, s12;
	s7 =	sadd.s32 s7, s16  }
0x16: {  	[dreg:$0x8] =	wrdreg s12;
	s12 =	sadd.s32 s17, s2;
	s17 =	sshrl.u32 s23, $0x3  }
0x17: {  	[dreg:$0xb] =	wrdreg s25;
	s24 =	sadd.s32 $0xE100, s7;
	s0 =	sadd.s32 s0, s17  }
0x18: {  	s23 =	simm.s32 $0x77B0;
	[dreg:$0x9] =	wrdreg s0;
	s0 =	sadd.s32 $0x2580, s3  }
0x19: {  	s7 =	simm.s32 $0x11710;
	[dreg:$0xa] =	wrdreg s24;
	s0 =	sshrl.u32 @p0 s0, $0x3  }
0x1a: {  	v0 =	vimm.f32 $0.0e+00;
	s25 =	sshrl.u32 @!p0 s12, $0x3;
	[dreg:$0xd] =	wrdreg s0;
	s0 =	simm.s32 $0x190  }
.LBB2_1:
0x1b: {  	s12 =	simm.s32 $0xC0;
	s16 =	simm.s32 $0x0  }
.LBB2_2:
0x1c: {  	p1 =	sne.s32 s12, $0x1DF40;
	[tilespmem:s16+$0x16230] =	vst v0;
	s17 =	smov.u32 s12;
	s12 =	sadd.s32 $0xC0, s12  }
.Ltmp0:
0x1d: {  	[tilespmem:s16+$0x16210] =	vst v0;
	(pc) =	sbr.rel @p1 .LBB2_2-.Ltmp0, $2  }
0x1e: {  	[tilespmem:s16+$0x16220] =	vst v0;
	_ =	sdelay $0x2  }
0x1f: {  	s16 =	sshra.s32 s17, $0x2  }
0x20: {  	[tilespmem:s16+$0x16230] =	vst v0  }
0x21: {  	[tilespmem:s16+$0x16210] =	vst v0  }
0x22: {  	[tilespmem:s16+$0x16220] =	vst v0  }
0x23: {  	[tilespmem:$0x1DA10] =	vst v0  }
0x24: {  	[tilespmem:$0x1DA20] =	vst v0  }
0x25: {  	[tilespmem:$0x1DA30] =	vst v0  }
0x26: {  	[tilespmem:$0x1DA40] =	vst v0  }
0x27: {  	[tilespmem:$0x1DA50] =	vst v0  }
0x28: {  	[tilespmem:$0x1DA60] =	vst v0  }
0x29: {  	[tilespmem:$0x1DA70] =	vst v0  }
0x2a: {  	[tilespmem:$0x1DA80] =	vst v0  }
0x2b: {  	[tilespmem:$0x1DA90] =	vst v0  }
0x2c: {  	[tilespmem:$0x1DAA0] =	vst v0  }
0x2d: {  	[tilespmem:$0x1DAB0] =	vst v0  }
0x2e: {  	[tilespmem:$0x1DAC0] =	vst v0  }
0x2f: {  	[tilespmem:$0x1DAD0] =	vst v0  }
0x30: {  	[tilespmem:$0x1DAE0] =	vst v0  }
0x31: {  	[tilespmem:$0x1DAF0] =	vst v0  }
0x32: {  	[tilespmem:$0x1DB00] =	vst v0  }
0x33: {  	[tilespmem:$0x1DB10] =	vst v0  }
0x34: {  	[tilespmem:$0x1DB20] =	vst v0  }
0x35: {  	[tilespmem:$0x1DB30] =	vst v0  }
0x36: {  	[tilespmem:$0x1DB40] =	vst v0  }
0x37: {  	[tilespmem:$0x1DB50] =	vst v0  }
0x38: {  	[tilespmem:$0x1DB60] =	vst v0  }
0x39: {  	[tilespmem:$0x1DB70] =	vst v0  }
0x3a: {  	[tilespmem:$0x1DB80] =	vst v0  }
0x3b: {  	[tilespmem:$0x1DB90] =	vst v0  }
0x3c: {  	[tilespmem:$0x1DBA0] =	vst v0  }
0x3d: {  	[tilespmem:$0x1DBB0] =	vst v0  }
0x3e: {  	[tilespmem:$0x1DBC0] =	vst v0  }
0x3f: {  	[tilespmem:$0x1DBD0] =	vst v0  }
0x40: {  	[tilespmem:$0x1DBE0] =	vst v0  }
0x41: {  	[tilespmem:$0x1DBF0] =	vst v0  }
0x42: {  	[tilespmem:$0x1DC00] =	vst v0  }
0x43: {  	[tilespmem:$0x1DC10] =	vst v0  }
0x44: {  	[tilespmem:$0x1DC20] =	vst v0  }
0x45: {  	[tilespmem:$0x1DC30] =	vst v0  }
0x46: {  	[tilespmem:$0x1DC40] =	vst v0  }
0x47: {  	[tilespmem:$0x1DC50] =	vst v0  }
0x48: {  	[tilespmem:$0x1DC60] =	vst v0  }
0x49: {  	[tilespmem:$0x1DC70] =	vst v0  }
0x4a: {  	s12 =	simm.s32 @p0 $0x16210;
	[tilespmem:$0x1DC80] =	vst v0  }
0x4b: {  	[spmem:s13] =	stream.linear.scatter @p0 [tilespmem:s12], [sflag:$0x2], $0x4B00, $0x38;
	[tilespmem:$0x1DC90] =	vst v63  }
0x4c: {  	s12 =	simm.s32 @p0 $0x2  }
0x4d: {  	_ =	swait.ge @p0 [sflag:s12], $0x4B00  }
0x4e: {  	[sflag:s12] =	ssyncset.done @p0 $0x0  }
0x4f: {  	s16 =	rddreg [dreg:$0x7];
	[sflag:s12] =	ssyncadd.s32 @p0 $0xFFFFB500;
	s12 =	simm.s32 @!p0 $0x16210  }
0x50: {  	[spmem:s16] =	stream.linear.scatter @!p0 [tilespmem:s12], [sflag:$0x2], $0x7800, $0x38;
	[tilespmem:$0x1DC90] =	vst v63  }
0x51: {  	s12 =	simm.s32 @!p0 $0x2  }
0x52: {  	_ =	swait.ge @!p0 [sflag:s12], $0x7800  }
0x53: {  	[sflag:s12] =	ssyncset.done @!p0 $0x0  }
0x54: {  	s19 =	simm.s32 $0x1DA10;
	[sflag:s12] =	ssyncadd.s32 @!p0 $0xFFFF8800  }
0x55: {  	[spmem:s14] =	stream.linear.scatter [tilespmem:s19], [sflag:$0x2], $0x280, $0x38;
	[tilespmem:$0x1DC90] =	vst v63  }
0x56: {  	_ =	swait.ge [sflag:s22], $0x280  }
0x57: {  	[sflag:s22] =	ssyncset.done $0x0  }
0x58: {  	s12 =	simm.s32 $0x0;
	s20 =	rddreg [dreg:$0x5];
	[sflag:s22] =	ssyncadd.s32 $0xFFFFFD80  }
0x59: {  	[tilespmem:s23], [sflag:$0x2] =	stream.linear.gather [hbm4b:s20+s12], $0x2710, $0x38;
	[tilespmem:$0x1DC90] =	vst v63  }
0x5a: {  	_ =	swait.ge [sflag:s22], $0x2710  }
0x5b: {  	[sflag:s22] =	ssyncset.done $0x0  }
0x5c: {  	s24 =	rddreg [dreg:$0x6];
	[sflag:s22] =	ssyncadd.s32 $0xFFFFD8F0  }
0x5d: {  	[tilespmem:s26], [sflag:$0x2] =	stream.linear.gather [hbm4b:s24+s12], $0x2710, $0x38;
	[tilespmem:$0x1DC90] =	vst v63  }
0x5e: {  	_ =	swait.ge [sflag:s22], $0x2710  }
0x5f: {  	[sflag:s22] =	ssyncset.done $0x0  }
0x60: {  	[sflag:s22] =	ssyncadd.s32 $0xFFFFD8F0  }
0x61: {  	s16 =	simm.s32 $0x0;
	[bflag:$0x0] =	sbarrier.arrive $0xFFFF  }
.LBB2_4:
0x62: {  	s17 =	smul.u32 $0x190, s16;
	_ =	sdelay $0x1  }
0x63: {  	s17 =	sadd.s32 s15, s17  }
0x64: {  	s18 =	sshrl.u32 s17, $0x3  }
0x65: {  	s19 =	sadd.s32 s5, s18  }
0x66: {  	[tilespmem:s28], [sflag:$0x2] =	stream.linear.gather [hbm4b:s19+s12], $0x190, $0x38;
	[tilespmem:$0x1DC90] =	vst v63  }
0x67: {  	_ =	swait.ge [sflag:s22], $0x190  }
0x68: {  	[sflag:s22] =	ssyncset.done $0x0  }
0x69: {  	s24 =	sadd.s32 s1, s18;
	[sflag:s22] =	ssyncadd.s32 $0xFFFFFE70  }
0x6a: {  	[tilespmem:s29], [sflag:$0x2] =	stream.linear.gather [hbm4b:s24+s12], $0x190, $0x38;
	[tilespmem:$0x1DC90] =	vst v63  }
0x6b: {  	_ =	swait.ge [sflag:s22], $0x190  }
0x6c: {  	[sflag:s22] =	ssyncset.done $0x0  }
0x6d: {  	s18 =	sadd.s32 s9, s18;
	[sflag:s22] =	ssyncadd.s32 $0xFFFFFE70  }
0x6e: {  	[tilespmem:s30], [sflag:$0x2] =	stream.linear.gather [hbm4b:s18+s12], $0x190, $0x38;
	[tilespmem:$0x1DC90] =	vst v63  }
0x6f: {  	_ =	swait.ge [sflag:s22], $0x190  }
0x70: {  	s17 =	sshll.u32 s17, $0x1;
	[sflag:s22] =	ssyncset.done $0x0  }
0x71: {  	s17 =	sadd.s32 s11, s17;
	[sflag:s22] =	ssyncadd.s32 $0xFFFFFE70  }
0x72: {  	[tilespmem:s31], [sflag:$0x2] =	stream.linear.gather [hbm4b:s17+s12], $0x1900, $0x38;
	[tilespmem:$0x1DC90] =	vst v63  }
0x73: {  	_ =	swait.ge [sflag:s22], $0x1900  }
0x74: {  	[sflag:s22] =	ssyncset.done $0x0  }
0x75: {  	s17 =	simm.s32 $0x0;
	[sflag:s22] =	ssyncadd.s32 $0xFFFFE700  }
0x76: {  	[tilespmem:s21], [sflag:$0x1] =	stream.indirect.gather [hbm4b:s10+s0], $0x20, s28, s0, $0xb8;
	[tilespmem:$0x1DC90] =	vst v63  }
0x77: {  	v1 =	vld [tilespmem:s17+$0xC760]  }
0x78: {  	v2 =	vld [tilespmem:s17+$0xC5D0];
	_ =	sdelay $0x6  }
0x79: {  	v1 =	vld.idx.msk [tilespmem:v1+s26+$0x0], $0xffff  }
0x7a: {  	v2 =	vld.idx.msk [tilespmem:v2+s23+$0x0], $0xffff;
	_ =	sdelay $0x1  }
0x7b: {  	v3 =	vld [tilespmem:s17+$0xC8F0];
	_ =	sdelay $0x2  }
0x7c: {  	v1 =	vadd.f32 v1, v2;
	_ =	sdelay $0x1  }
0x7d: {  	v1 =	vadd.f32 v3, v1;
	_ =	sdelay $0x1  }
0x7e: {  	v2 =	vmul.f32 $9.999999770e-03, v1;
	_ =	sdelay $0x1  }
0x7f: {  	v1 =	vmax.f32 v1, v2  }
0x80: {  	v1 =	vmul.f32 $1.442695020e+00, v1;
	_ =	sdelay $0x1  }
0x81: {  	(erf) = vpow2.f32 v1;
	_ =	sdelay $0x1  }
0x82: {  	s19 =	simm.s32 $0x10  }
0x83: {  	s18 =	simm.s32 $0x80;
	v1 =	vld [tilespmem:s19+$0xC760]  }
.LBB2_5:
0x84: {  	p1 =	sne.s32 s18, $0x600;
	v2 =	vld [tilespmem:s19+$0xC5D0];
	_ =	sdelay $0x4  }
0x85: {  	v3 =	vpop (erf)  }
0x86: {  	[tilespmem:s17+$0xCA80] =	vst v3;
	s17 =	smov.u32 s19  }
0x87: {  	v1 =	vld.idx.msk [tilespmem:v1+s26+$0x0], $0xffff  }
0x88: {  	v2 =	vld.idx.msk [tilespmem:v2+s23+$0x0], $0xffff;
	_ =	sdelay $0x2  }
0x89: {  	v3 =	vld [tilespmem:s17+$0xC8F0];
	_ =	sdelay $0x2  }
0x8a: {  	v1 =	vadd.f32 v1, v2;
	_ =	sdelay $0x1  }
0x8b: {  	v1 =	vadd.f32 v3, v1;
	_ =	sdelay $0x1  }
0x8c: {  	v2 =	vmul.f32 $9.999999770e-03, v1;
	_ =	sdelay $0x1  }
0x8d: {  	v1 =	vmax.f32 v1, v2  }
0x8e: {  	v1 =	vmul.f32 $1.442695020e+00, v1  }
.Ltmp1:
0x8f: {  	(pc) =	sbr.rel @p1 .LBB2_5-.Ltmp1, $3  }
0x90: {  	(erf) = vpow2.f32 v1;
	_ =	sdelay $0x1  }
0x91: {  	s19 =	sshra.s32 s18, $0x2  }
0x92: {  	s18 =	sadd.s32 $0x40, s18;
	v1 =	vld [tilespmem:s19+$0xC760]  }
0x93: {  	_ = 	snop  }
0x94: {  	v2 =	vld [tilespmem:s19+$0xC5D0];
	_ =	sdelay $0x4  }
0x95: {  	v3 =	vpop (erf)  }
0x96: {  	[tilespmem:s17+$0xCA80] =	vst v3  }
0x97: {  	v1 =	vld.idx.msk [tilespmem:v1+s26+$0x0], $0xffff  }
0x98: {  	v2 =	vld.idx.msk [tilespmem:v2+s23+$0x0], $0xffff;
	_ =	sdelay $0x1  }
0x99: {  	v3 =	vld [tilespmem:s19+$0xC8F0];
	_ =	sdelay $0x2  }
0x9a: {  	v1 =	vadd.f32 v1, v2;
	_ =	sdelay $0x1  }
0x9b: {  	v1 =	vadd.f32 v3, v1;
	_ =	sdelay $0x1  }
0x9c: {  	v2 =	vmul.f32 $9.999999770e-03, v1;
	_ =	sdelay $0x1  }
0x9d: {  	v1 =	vmax.f32 v1, v2  }
0x9e: {  	v1 =	vmul.f32 $1.442695020e+00, v1;
	_ =	sdelay $0x1  }
0x9f: {  	(erf) = vpow2.f32 v1;
	_ =	sdelay $0x8  }
0xa0: {  	v1 =	vpop (erf)  }
0xa1: {  	[tilespmem:s19+$0xCA80] =	vst v1  }
0xa2: {  	[spmem:s3] =	stream.indirect.scatter.add.f32 [tilespmem:s8], [sflag:$0x2], $0x1, s29, s0, $0xb8;
	[tilespmem:$0x1DC90] =	vst v63  }
0xa3: {  	_ =	swait.ge [sflag:s22], $0x190  }
0xa4: {  	[sflag:s22] =	ssyncset.done $0x0  }
0xa5: {  	[sflag:s22] =	ssyncadd.s32 $0xFFFFFE70  }
0xa6: {  	_ =	swait.ge [sflag:s6], $0x3200  }
0xa7: {  	s18 =	simm.s32 $0xFE90;
	s20 =	simm.s32 $0xCD10;
	[sflag:s6] =	ssyncset.done $0x0  }
0xa8: {  	s17 =	simm.s32 $0x0;
	s19 =	simm.s32 $0x11890;
	[sflag:s6] =	ssyncadd.s32 $0xFFFFCE00  }
.LBB2_7:
0xa9: {  	s24 =	sshra.s32 s17, $0x2  }
0xaa: {  	v1 =	vld [tilespmem:s24+$0xCA80];
	_ =	sdelay $0x1  }
0xab: {  	v2 =	vld [tilespmem:s20+$0xFFFFFF00];
	_ =	sdelay $0x2  }
0xac: {  	v3 =	vbroadcast v1, $0x0;
	_ =	sdelay $0x1  }
0xad: {  	v2 =	vmul.f32 v2, v3;
	_ =	sdelay $0x1  }
0xae: {  	[tilespmem:s19+$0xFFFFFE80] =	vst v2  }
0xaf: {  	v2 =	vld [tilespmem:s20+$0xFFFFFF10];
	_ =	sdelay $0x4  }
0xb0: {  	v2 =	vmul.f32 v2, v3;
	_ =	sdelay $0x1  }
0xb1: {  	[tilespmem:s19+$0xFFFFFE90] =	vst v2  }
0xb2: {  	v2 =	vld [tilespmem:s18+$0xFFFFFF80];
	_ =	sdelay $0x4  }
0xb3: {  	v2 =	vmul.f32 v2, v3;
	_ =	sdelay $0x1  }
0xb4: {  	[tilespmem:s19+$0xFFFFFEA0] =	vst v2  }
0xb5: {  	v2 =	vld [tilespmem:s20+$0xFFFFFF20];
	_ =	sdelay $0x2  }
0xb6: {  	v3 =	vbroadcast v1, $0x1;
	_ =	sdelay $0x1  }
0xb7: {  	v2 =	vmul.f32 v2, v3;
	_ =	sdelay $0x1  }
0xb8: {  	[tilespmem:s19+$0xFFFFFEB0] =	vst v2  }
0xb9: {  	v2 =	vld [tilespmem:s20+$0xFFFFFF30];
	_ =	sdelay $0x4  }
0xba: {  	v2 =	vmul.f32 v2, v3;
	_ =	sdelay $0x1  }
0xbb: {  	[tilespmem:s19+$0xFFFFFEC0] =	vst v2  }
0xbc: {  	v2 =	vld [tilespmem:s18+$0xFFFFFF90];
	_ =	sdelay $0x4  }
0xbd: {  	v2 =	vmul.f32 v2, v3;
	_ =	sdelay $0x1  }
0xbe: {  	[tilespmem:s19+$0xFFFFFED0] =	vst v2  }
0xbf: {  	v2 =	vld [tilespmem:s20+$0xFFFFFF40];
	_ =	sdelay $0x2  }
0xc0: {  	v3 =	vbroadcast v1, $0x2;
	_ =	sdelay $0x1  }
0xc1: {  	v2 =	vmul.f32 v2, v3;
	_ =	sdelay $0x1  }
0xc2: {  	[tilespmem:s19+$0xFFFFFEE0] =	vst v2  }
0xc3: {  	v2 =	vld [tilespmem:s20+$0xFFFFFF50];
	_ =	sdelay $0x4  }
0xc4: {  	v2 =	vmul.f32 v2, v3;
	_ =	sdelay $0x1  }
0xc5: {  	[tilespmem:s19+$0xFFFFFEF0] =	vst v2  }
0xc6: {  	v2 =	vld [tilespmem:s18+$0xFFFFFFA0];
	_ =	sdelay $0x4  }
0xc7: {  	v2 =	vmul.f32 v2, v3;
	_ =	sdelay $0x1  }
0xc8: {  	[tilespmem:s19+$0xFFFFFF00] =	vst v2  }
0xc9: {  	v2 =	vld [tilespmem:s20+$0xFFFFFF60];
	_ =	sdelay $0x2  }
0xca: {  	v3 =	vbroadcast v1, $0x3;
	_ =	sdelay $0x1  }
0xcb: {  	v2 =	vmul.f32 v2, v3;
	_ =	sdelay $0x1  }
0xcc: {  	[tilespmem:s19+$0xFFFFFF10] =	vst v2  }
0xcd: {  	v2 =	vld [tilespmem:s20+$0xFFFFFF70];
	_ =	sdelay $0x4  }
0xce: {  	v2 =	vmul.f32 v2, v3;
	_ =	sdelay $0x1  }
0xcf: {  	[tilespmem:s19+$0xFFFFFF20] =	vst v2  }
0xd0: {  	v2 =	vld [tilespmem:s18+$0xFFFFFFB0];
	_ =	sdelay $0x4  }
0xd1: {  	v2 =	vmul.f32 v2, v3;
	_ =	sdelay $0x1  }
0xd2: {  	[tilespmem:s19+$0xFFFFFF30] =	vst v2  }
0xd3: {  	v2 =	vld [tilespmem:s20+$0xFFFFFF80];
	_ =	sdelay $0x2  }
0xd4: {  	v3 =	vbroadcast v1, $0x4;
	_ =	sdelay $0x1  }
0xd5: {  	v2 =	vmul.f32 v2, v3;
	_ =	sdelay $0x1  }
0xd6: {  	[tilespmem:s19+$0xFFFFFF40] =	vst v2  }
0xd7: {  	v2 =	vld [tilespmem:s20+$0xFFFFFF90];
	_ =	sdelay $0x4  }
0xd8: {  	v2 =	vmul.f32 v2, v3;
	_ =	sdelay $0x1  }
0xd9: {  	[tilespmem:s19+$0xFFFFFF50] =	vst v2  }
0xda: {  	v2 =	vld [tilespmem:s18+$0xFFFFFFC0];
	_ =	sdelay $0x4  }
0xdb: {  	v2 =	vmul.f32 v2, v3;
	_ =	sdelay $0x1  }
0xdc: {  	[tilespmem:s19+$0xFFFFFF60] =	vst v2  }
0xdd: {  	v2 =	vld [tilespmem:s20+$0xFFFFFFA0];
	_ =	sdelay $0x2  }
0xde: {  	v3 =	vbroadcast v1, $0x5;
	_ =	sdelay $0x1  }
0xdf: {  	v2 =	vmul.f32 v2, v3;
	_ =	sdelay $0x1  }
0xe0: {  	[tilespmem:s19+$0xFFFFFF70] =	vst v2  }
0xe1: {  	v2 =	vld [tilespmem:s20+$0xFFFFFFB0];
	_ =	sdelay $0x4  }
0xe2: {  	v2 =	vmul.f32 v2, v3;
	_ =	sdelay $0x1  }
0xe3: {  	[tilespmem:s19+$0xFFFFFF80] =	vst v2  }
0xe4: {  	v2 =	vld [tilespmem:s18+$0xFFFFFFD0];
	_ =	sdelay $0x4  }
0xe5: {  	v2 =	vmul.f32 v2, v3;
	_ =	sdelay $0x1  }
0xe6: {  	[tilespmem:s19+$0xFFFFFF90] =	vst v2  }
0xe7: {  	v2 =	vld [tilespmem:s20+$0xFFFFFFC0];
	_ =	sdelay $0x2  }
0xe8: {  	v3 =	vbroadcast v1, $0x6;
	_ =	sdelay $0x1  }
0xe9: {  	v2 =	vmul.f32 v2, v3;
	_ =	sdelay $0x1  }
0xea: {  	[tilespmem:s19+$0xFFFFFFA0] =	vst v2  }
0xeb: {  	v2 =	vld [tilespmem:s20+$0xFFFFFFD0];
	_ =	sdelay $0x4  }
0xec: {  	v2 =	vmul.f32 v2, v3;
	_ =	sdelay $0x1  }
0xed: {  	[tilespmem:s19+$0xFFFFFFB0] =	vst v2  }
0xee: {  	v2 =	vld [tilespmem:s18+$0xFFFFFFE0];
	_ =	sdelay $0x4  }
0xef: {  	v2 =	vmul.f32 v2, v3;
	_ =	sdelay $0x1  }
0xf0: {  	[tilespmem:s19+$0xFFFFFFC0] =	vst v2  }
0xf1: {  	v2 =	vld [tilespmem:s20+$0xFFFFFFE0];
	_ =	sdelay $0x2  }
0xf2: {  	v3 =	vbroadcast v1, $0x7;
	_ =	sdelay $0x1  }
0xf3: {  	v2 =	vmul.f32 v2, v3;
	_ =	sdelay $0x1  }
0xf4: {  	[tilespmem:s19+$0xFFFFFFD0] =	vst v2  }
0xf5: {  	v2 =	vld [tilespmem:s20+$0xFFFFFFF0];
	_ =	sdelay $0x4  }
0xf6: {  	v2 =	vmul.f32 v2, v3;
	_ =	sdelay $0x1  }
0xf7: {  	[tilespmem:s19+$0xFFFFFFE0] =	vst v2  }
0xf8: {  	v2 =	vld [tilespmem:s18+$0xFFFFFFF0];
	_ =	sdelay $0x4  }
0xf9: {  	v2 =	vmul.f32 v2, v3;
	_ =	sdelay $0x1  }
0xfa: {  	[tilespmem:s19+$0xFFFFFFF0] =	vst v2  }
0xfb: {  	v2 =	vld [tilespmem:s20+$0x0];
	_ =	sdelay $0x2  }
0xfc: {  	v3 =	vbroadcast v1, $0x8;
	_ =	sdelay $0x1  }
0xfd: {  	v2 =	vmul.f32 v2, v3;
	_ =	sdelay $0x1  }
0xfe: {  	[tilespmem:s19+$0x0] =	vst v2  }
0xff: {  	v2 =	vld [tilespmem:s20+$0x10];
	_ =	sdelay $0x4  }
0x100: {  	v2 =	vmul.f32 v2, v3;
	_ =	sdelay $0x1  }
0x101: {  	[tilespmem:s19+$0x10] =	vst v2  }
0x102: {  	v2 =	vld [tilespmem:s18+$0x0];
	_ =	sdelay $0x4  }
0x103: {  	v2 =	vmul.f32 v2, v3;
	_ =	sdelay $0x1  }
0x104: {  	[tilespmem:s19+$0x20] =	vst v2  }
0x105: {  	v2 =	vld [tilespmem:s20+$0x20];
	_ =	sdelay $0x2  }
0x106: {  	v3 =	vbroadcast v1, $0x9;
	_ =	sdelay $0x1  }
0x107: {  	v2 =	vmul.f32 v2, v3;
	_ =	sdelay $0x1  }
0x108: {  	[tilespmem:s19+$0x30] =	vst v2  }
0x109: {  	v2 =	vld [tilespmem:s20+$0x30];
	_ =	sdelay $0x4  }
0x10a: {  	v2 =	vmul.f32 v2, v3;
	_ =	sdelay $0x1  }
0x10b: {  	[tilespmem:s19+$0x40] =	vst v2  }
0x10c: {  	v2 =	vld [tilespmem:s18+$0x10];
	_ =	sdelay $0x4  }
0x10d: {  	v2 =	vmul.f32 v2, v3;
	_ =	sdelay $0x1  }
0x10e: {  	[tilespmem:s19+$0x50] =	vst v2  }
0x10f: {  	v2 =	vld [tilespmem:s20+$0x40];
	_ =	sdelay $0x2  }
0x110: {  	v3 =	vbroadcast v1, $0xA;
	_ =	sdelay $0x1  }
0x111: {  	v2 =	vmul.f32 v2, v3;
	_ =	sdelay $0x1  }
0x112: {  	[tilespmem:s19+$0x60] =	vst v2  }
0x113: {  	v2 =	vld [tilespmem:s20+$0x50];
	_ =	sdelay $0x4  }
0x114: {  	v2 =	vmul.f32 v2, v3;
	_ =	sdelay $0x1  }
0x115: {  	[tilespmem:s19+$0x70] =	vst v2  }
0x116: {  	v2 =	vld [tilespmem:s18+$0x20];
	_ =	sdelay $0x4  }
0x117: {  	v2 =	vmul.f32 v2, v3;
	_ =	sdelay $0x1  }
0x118: {  	[tilespmem:s19+$0x80] =	vst v2  }
0x119: {  	v2 =	vld [tilespmem:s20+$0x60];
	_ =	sdelay $0x2  }
0x11a: {  	v3 =	vbroadcast v1, $0xB;
	_ =	sdelay $0x1  }
0x11b: {  	v2 =	vmul.f32 v2, v3;
	_ =	sdelay $0x1  }
0x11c: {  	[tilespmem:s19+$0x90] =	vst v2  }
0x11d: {  	v2 =	vld [tilespmem:s20+$0x70];
	_ =	sdelay $0x4  }
0x11e: {  	v2 =	vmul.f32 v2, v3;
	_ =	sdelay $0x1  }
0x11f: {  	[tilespmem:s19+$0xA0] =	vst v2  }
0x120: {  	v2 =	vld [tilespmem:s18+$0x30];
	_ =	sdelay $0x4  }
0x121: {  	v2 =	vmul.f32 v2, v3;
	_ =	sdelay $0x1  }
0x122: {  	[tilespmem:s19+$0xB0] =	vst v2  }
0x123: {  	v2 =	vld [tilespmem:s20+$0x80];
	_ =	sdelay $0x2  }
0x124: {  	v3 =	vbroadcast v1, $0xC;
	_ =	sdelay $0x1  }
0x125: {  	v2 =	vmul.f32 v2, v3;
	_ =	sdelay $0x1  }
0x126: {  	[tilespmem:s19+$0xC0] =	vst v2  }
0x127: {  	v2 =	vld [tilespmem:s20+$0x90];
	_ =	sdelay $0x4  }
0x128: {  	v2 =	vmul.f32 v2, v3;
	_ =	sdelay $0x1  }
0x129: {  	[tilespmem:s19+$0xD0] =	vst v2  }
0x12a: {  	v2 =	vld [tilespmem:s18+$0x40];
	_ =	sdelay $0x4  }
0x12b: {  	v2 =	vmul.f32 v2, v3;
	_ =	sdelay $0x1  }
0x12c: {  	[tilespmem:s19+$0xE0] =	vst v2  }
0x12d: {  	v2 =	vld [tilespmem:s20+$0xA0];
	_ =	sdelay $0x2  }
0x12e: {  	v3 =	vbroadcast v1, $0xD;
	_ =	sdelay $0x1  }
0x12f: {  	v2 =	vmul.f32 v2, v3;
	_ =	sdelay $0x1  }
0x130: {  	[tilespmem:s19+$0xF0] =	vst v2  }
0x131: {  	v2 =	vld [tilespmem:s20+$0xB0];
	_ =	sdelay $0x4  }
0x132: {  	v2 =	vmul.f32 v2, v3;
	_ =	sdelay $0x1  }
0x133: {  	[tilespmem:s19+$0x100] =	vst v2  }
0x134: {  	v2 =	vld [tilespmem:s18+$0x50];
	_ =	sdelay $0x4  }
0x135: {  	v2 =	vmul.f32 v2, v3;
	_ =	sdelay $0x1  }
0x136: {  	[tilespmem:s19+$0x110] =	vst v2  }
0x137: {  	v2 =	vld [tilespmem:s20+$0xC0];
	_ =	sdelay $0x2  }
0x138: {  	v3 =	vbroadcast v1, $0xE;
	_ =	sdelay $0x1  }
0x139: {  	v2 =	vmul.f32 v2, v3;
	_ =	sdelay $0x1  }
0x13a: {  	[tilespmem:s19+$0x120] =	vst v2  }
0x13b: {  	v2 =	vld [tilespmem:s20+$0xD0];
	_ =	sdelay $0x4  }
0x13c: {  	v2 =	vmul.f32 v2, v3;
	_ =	sdelay $0x1  }
0x13d: {  	[tilespmem:s19+$0x130] =	vst v2  }
0x13e: {  	v2 =	vld [tilespmem:s18+$0x60];
	_ =	sdelay $0x4  }
0x13f: {  	v2 =	vmul.f32 v2, v3;
	_ =	sdelay $0x1  }
0x140: {  	[tilespmem:s19+$0x140] =	vst v2  }
0x141: {  	v2 =	vld [tilespmem:s20+$0xE0];
	_ =	sdelay $0x2  }
0x142: {  	v1 =	vbroadcast v1, $0xF;
	_ =	sdelay $0x1  }
0x143: {  	v2 =	vmul.f32 v2, v1;
	_ =	sdelay $0x1  }
0x144: {  	[tilespmem:s19+$0x150] =	vst v2  }
0x145: {  	v2 =	vld [tilespmem:s20+$0xF0];
	_ =	sdelay $0x4  }
0x146: {  	v2 =	vmul.f32 v2, v1;
	_ =	sdelay $0x1  }
0x147: {  	[tilespmem:s19+$0x160] =	vst v2  }
0x148: {  	v2 =	vld [tilespmem:s18+$0x70];
	_ =	sdelay $0x1  }
0x149: {  	p1 =	sne.s32 s17, $0x600  }
.Ltmp2:
0x14a: {  	_ = 	snop;
	(pc) =	sbr.rel @p1 .LBB2_7-.Ltmp2, $4  }
0x14b: {  	_ = 	snop  }
0x14c: {  	v1 =	vmul.f32 v2, v1  }
0x14d: {  	s17 =	sadd.s32 $0x40, s17  }
0x14e: {  	s20 =	sadd.s32 $0x200, s20;
	s18 =	sadd.s32 $0x100, s18;
	[tilespmem:s19+$0x170] =	vst v1;
	s19 =	sadd.s32 $0x300, s19  }
0x14f: {  	s16 =	sadd.s32 $0x1, s16  }
0x150: {  	p1 =	sne.s32 s16, $0x19  }
.Ltmp3:
0x151: {  	_ = 	snop;
	(pc) =	sbr.rel @p1 .LBB2_4-.Ltmp3, $4  }
0x152: {  	[spmem:s2] =	stream.indirect.scatter.add.f32 [tilespmem:s7], [sflag:$0x2], $0x30, s29, s0, $0xb8;
	[tilespmem:$0x1DC90] =	vst v63  }
0x153: {  	_ =	swait.ge [sflag:s22], $0x4B00  }
0x154: {  	[sflag:s22] =	ssyncset.done $0x0  }
0x155: {  	[sflag:s22] =	ssyncadd.s32 $0xFFFFB500  }
0x156: {  	[bflag:$0x0] =	sbarrier.arrive $0xFFFF  }
0x157: {  	s12 =	sshrl.u32 @p0 s13, $0x3;
	s16 =	simm.s32 @p0 $0x1FC2;
	s17 =	rddreg [dreg:$0xa]  }
0x158: {  	[hbm:s17], [sflag:s16] =	dma.local @p0 [spmem:s12], $0x960  }
0x159: {  	s12 =	simm.s32 @p0 $0x2  }
0x15a: {  	_ =	swait.ge @p0 [sflag:s12], $0x960  }
0x15b: {  	[sflag:s12] =	ssyncset.done @p0 $0x0;
	s17 =	rddreg [dreg:$0xb]  }
0x15c: {  	s18 =	rddreg [dreg:$0xd];
	[sflag:s12] =	ssyncadd.s32 @p0 $0xFFFFF6A0  }
0x15d: {  	[hbm:s17], [sflag:s16] =	dma.local @p0 [spmem:s18], $0x32  }
0x15e: {  	s16 =	stileid.u32;
	_ =	swait.ge @p0 [sflag:s12], $0x32  }
0x15f: {  	s16 =	sshll.u32 @!p0 s16, $0x6;
	[sflag:s12] =	ssyncset.done @p0 $0x0  }
0x160: {  	[sflag:s12] =	ssyncadd.s32 @p0 $0xFFFFFFCE;
	s12 =	sor.u32 @!p0 $0x1C02, s16;
	s16 =	rddreg [dreg:$0x8]  }
0x161: {  	[hbm:s16], [sflag:s12] =	dma.local @!p0 [spmem:s25], $0xF00  }
0x162: {  	s16 =	simm.s32 @!p0 $0x2  }
0x163: {  	_ =	swait.ge @!p0 [sflag:s16], $0xF00  }
0x164: {  	[sflag:s16] =	ssyncset.done @!p0 $0x0  }
0x165: {  	s17 =	sshrl.u32 @!p0 s14, $0x3;
	s18 =	rddreg [dreg:$0x9];
	[sflag:s16] =	ssyncadd.s32 @!p0 $0xFFFFF100  }
0x166: {  	[hbm:s18], [sflag:s12] =	dma.local @!p0 [spmem:s17], $0x50  }
0x167: {  	_ =	swait.ge @!p0 [sflag:s16], $0x50  }
0x168: {  	s4 =	sadd.s32 $0x1, s4;
	s24 =	rddreg [dreg:$0xc]  }
0x169: {  	p1 =	sne.s32 s4, s24  }
.Ltmp4:
0x16a: {  	_ = 	snop;
	(pc) =	sbr.rel @p1 .LBB2_1-.Ltmp4, $3  }
0x16b: {  	_ =	sdelay $0x1  }
0x16c: {  	[sflag:s16] =	ssyncset.done @!p0 $0x0  }
0x16d: {  	[sflag:s16] =	ssyncadd.s32 @!p0 $0xFFFFFFB0  }
0x16e: {  	_ =	sfence.sel $0x180000  }
0x16f: {  	[bflag:$0x0] =	sbarrier.arrive $0xFFFF  }
0x170: {  	_ =	strace $0x90000047  }
0x171: {  	s0 =	stileid.u32;
	[bflag:$0x2] =	sbarrier.arrive $0xFFFF  }
0x172: {  	p0 =	sne.s32 s0, $0x0;
	s0 =	rddreg [dreg:$0x4]  }
0x173: {  	s0 =	sadd.s32 @!p0 $0x100000, s0  }
0x174: {  	[sflag:s0] =	ssyncadd.tile.s32 @!p0 $0x1;
	_ =	shalt  }
.Lfunc_end2:
_tile_overlayer_lowered:
.L_overlay_start_2:
0x175: {  	(tag) =	ssettag $0x2  }
0x176: {  	s0 =	rddreg [dreg:$0x0];
	s2 =	stileid.u32  }
0x177: {  	s1 =	rddreg [dreg:$0x1];
	p0 =	sne.s32 s2, $0x0  }
0x178: {  	s3 =	rddreg [dreg:$0x2];
	[bflag:$0x3] =	sbarrier.arrive $0xFFFF;
	s2 =	simm.s32 @!p0 $0x1C02  }
0x179: {  	[timem:s3], [sflag:s2] =	dma.local @!p0 [hbm:s0], s1  }
0x17a: {  	s0 =	simm.s32 @!p0 $0x2  }
0x17b: {  	_ =	swait.ge @!p0 [sflag:s0], s1  }
0x17c: {  	s1 =	ssub.s32 @!p0 $0x0, s1;
	[sflag:s0] =	ssyncset.done @!p0 $0x0  }
0x17d: {  	[sflag:s0] =	ssyncadd.s32 @!p0 s1  }
0x17e: {  	[bflag:$0x3] =	sbarrier.arrive $0xFFFF  }
0x17f: {  	_ =	shalt  }

</sc_bundles>
